<compile_context>
chip_gen: v7x
topology: tpu7x:2x2x1
jax: 0.10.2.dev20260603
libtpu: 0.0.44.dev20260713+nightly
codegen_flags: <defaults>
</compile_context>

<pallas_src>
import functools

import jax
import jax.numpy as jnp
from jax import lax
from jax.experimental import pallas as pl
from jax.experimental.pallas import tpu as pltpu
from jax.experimental.pallas import tpu_sc as plsc

T = 2048
D = 2048
F = 1024
E = 8
K = 2

TB = 512
GB = 256
NT = 23
P = NT * GB

NC, NS = 2, 16

_SC_MESH = functools.partial(
    plsc.VectorSubcoreMesh, core_axis_name="c", subcore_axis_name="s",
    num_cores=NC, num_subcores=NS)
_SC_PARAMS = pltpu.CompilerParams(needs_layout_passes=False)


def _wid():
    return lax.axis_index("s") * NC + lax.axis_index("c")


def _router_body(x_ref, wrt_ref, b_ref, idx_ref, w_ref, x16_ref):
    x16_ref[...] = x_ref[...].astype(jnp.bfloat16)
    logits = jnp.dot(x_ref[...], wrt_ref[...],
                     preferred_element_type=jnp.float32)
    scores = jax.nn.sigmoid(logits)
    sfc = scores + b_ref[...]
    iota = lax.broadcasted_iota(jnp.int32, (TB, E), 1)
    neg_inf = jnp.float32(-jnp.inf)
    m1 = jnp.max(sfc, axis=1, keepdims=True)
    i1 = jnp.min(jnp.where(sfc == m1, iota, E), axis=1, keepdims=True)
    sfc2 = jnp.where(iota == i1, neg_inf, sfc)
    m2 = jnp.max(sfc2, axis=1, keepdims=True)
    i2 = jnp.min(jnp.where(sfc2 == m2, iota, E), axis=1, keepdims=True)
    w1 = jnp.sum(jnp.where(iota == i1, scores, 0.0), axis=1, keepdims=True)
    w2 = jnp.sum(jnp.where(iota == i2, scores, 0.0), axis=1, keepdims=True)
    den = w1 + w2 + jnp.float32(1e-20)
    idx_ref[...] = jnp.concatenate([i1, i2], axis=1)
    w_ref[...] = jnp.concatenate([w1 / den, w2 / den], axis=1)


def _router(x, W_router, bias):
    return pl.pallas_call(
        _router_body,
        grid=(T // TB,),
        in_specs=[
            pl.BlockSpec((TB, D), lambda i: (i, 0)),
            pl.BlockSpec((D, E), lambda i: (0, 0)),
            pl.BlockSpec((1, E), lambda i: (0, 0)),
        ],
        out_specs=[
            pl.BlockSpec((TB, K), lambda i: (i, 0)),
            pl.BlockSpec((TB, K), lambda i: (i, 0)),
            pl.BlockSpec((TB, D), lambda i: (i, 0)),
        ],
        out_shape=[
            jax.ShapeDtypeStruct((T, K), jnp.int32),
            jax.ShapeDtypeStruct((T, K), jnp.float32),
            jax.ShapeDtypeStruct((T, D), jnp.bfloat16),
        ],
    )(x, W_router.T, bias.reshape(1, E))


def _dispatch_body(ek_hbm, wk_hbm,
                   tok_hbm, rw_hbm, pos0_hbm, pos1_hbm, te_hbm, ta_hbm,
                   ek_v, wk_v, rank_v, tok_v, rw_v, pos0_v, pos1_v,
                   cnt_v, start_v, cum_v, te_v, ta_v):
    nvec = (T * K) // 16

    @pl.when(_wid() == 0)
    def _():
        pltpu.sync_copy(ek_hbm, ek_v)
        pltpu.sync_copy(wk_hbm, wk_v)
        cnt_v[...] = jnp.zeros((16,), jnp.int32)

        def zero(j, c):
            tok_v[pl.ds(j * 16, 16)] = jnp.zeros((16,), jnp.int32)
            rw_v[pl.ds(j * 16, 16)] = jnp.zeros((16,), jnp.float32)
            return c
        lax.fori_loop(0, P // 16, zero, 0)

        cal, _ = plsc.scan_count(jnp.zeros((16,), jnp.int32))
        dup_base = cal - lax.iota(jnp.int32, 16)

        def p1(i, c):
            ek = ek_v[pl.ds(i * 16, 16)]
            prior = plsc.load_gather(cnt_v, [ek])
            dup, last = plsc.scan_count(ek)
            rank = prior + dup - dup_base
            rank_v[pl.ds(i * 16, 16)] = rank
            plsc.store_scatter(cnt_v, [ek], rank + 1, mask=last)
            return c
        lax.fori_loop(0, nvec, p1, 0)

        cnt = cnt_v[...]
        padded = ((cnt + (GB - 1)) >> 8) << 8
        cum = plsc.cumsum(padded)
        start_v[...] = cum - padded
        cum_v[...] = cum
        tb0 = lax.iota(jnp.int32, 16) * GB
        tb1 = (lax.iota(jnp.int32, 16) + 16) * GB

        te0 = jnp.zeros((16,), jnp.int32)
        te1 = jnp.zeros((16,), jnp.int32)
        for e in range(E):
            ce = cum[e]
            te0 = te0 + jnp.where(tb0 >= ce, 1, 0).astype(jnp.int32)
            te1 = te1 + jnp.where(tb1 >= ce, 1, 0).astype(jnp.int32)
        total = cum[E - 1]
        te_v[pl.ds(0, 16)] = jnp.minimum(te0, E - 1)
        te_v[pl.ds(16, 16)] = jnp.minimum(te1, E - 1)
        ta_v[pl.ds(0, 16)] = (tb0 < total).astype(jnp.int32)
        ta_v[pl.ds(16, 16)] = (tb1 < total).astype(jnp.int32)
        pltpu.sync_copy(te_v, te_hbm)
        pltpu.sync_copy(ta_v, ta_hbm)

        lane = lax.iota(jnp.int32, 16)

        def p2(i, c):
            ek = ek_v[pl.ds(i * 16, 16)]
            w = wk_v[pl.ds(i * 16, 16)]
            rank = rank_v[pl.ds(i * 16, 16)]
            slot = plsc.load_gather(start_v, [ek]) + rank
            base = i * 16 + lane
            tok = base >> 1
            kk = base & 1
            plsc.store_scatter(tok_v, [slot], tok)
            plsc.store_scatter(rw_v, [slot], w)
            plsc.store_scatter(pos0_v, [tok], slot, mask=kk == 0)
            plsc.store_scatter(pos1_v, [tok], slot, mask=kk == 1)
            return c
        lax.fori_loop(0, nvec, p2, 0)

        pltpu.sync_copy(tok_v, tok_hbm)
        pltpu.sync_copy(rw_v, rw_hbm)
        pltpu.sync_copy(pos0_v, pos0_hbm)
        pltpu.sync_copy(pos1_v, pos1_hbm)


def _dispatch(ek, wk):
    return pl.kernel(
        _dispatch_body,
        out_type=[
            jax.ShapeDtypeStruct((P,), jnp.int32),
            jax.ShapeDtypeStruct((P,), jnp.float32),
            jax.ShapeDtypeStruct((T,), jnp.int32),
            jax.ShapeDtypeStruct((T,), jnp.int32),
            jax.ShapeDtypeStruct((32,), jnp.int32),
            jax.ShapeDtypeStruct((32,), jnp.int32),
        ],
        mesh=_SC_MESH(),
        compiler_params=_SC_PARAMS,
        scratch_types=[
            pltpu.VMEM((T * K,), jnp.int32),
            pltpu.VMEM((T * K,), jnp.float32),
            pltpu.VMEM((T * K,), jnp.int32),
            pltpu.VMEM((P,), jnp.int32),
            pltpu.VMEM((P,), jnp.float32),
            pltpu.VMEM((T,), jnp.int32),
            pltpu.VMEM((T,), jnp.int32),
            pltpu.VMEM((16,), jnp.int32),
            pltpu.VMEM((16,), jnp.int32),
            pltpu.VMEM((16,), jnp.int32),
            pltpu.VMEM((32,), jnp.int32),
            pltpu.VMEM((32,), jnp.int32),
        ],
    )(ek, wk)


def _gmm_body(te_ref, act_ref, x16_ref, tok_ref, rw_ref,
              wg_ref, wu_ref, wd_ref, y_ref):
    i = pl.program_id(0)

    @pl.when(act_ref[i] != 0)
    def _():
        iota_t = lax.broadcasted_iota(jnp.int32, (GB, T), 1)
        oh = (tok_ref[...] == iota_t).astype(jnp.bfloat16)
        xb = jnp.dot(oh, x16_ref[...],
                     preferred_element_type=jnp.float32).astype(jnp.bfloat16)
        wg = wg_ref[0].astype(jnp.bfloat16)
        wu = wu_ref[0].astype(jnp.bfloat16)
        g = jnp.dot(xb, wg, preferred_element_type=jnp.float32)
        u = jnp.dot(xb, wu, preferred_element_type=jnp.float32)
        h = (g * jax.nn.sigmoid(g)) * u
        h = (h * rw_ref[...]).astype(jnp.bfloat16)
        wd = wd_ref[0].astype(jnp.bfloat16)
        y_ref[...] = jnp.dot(
            h, wd, preferred_element_type=jnp.float32).astype(jnp.bfloat16)

    @pl.when(act_ref[i] == 0)
    def _():
        y_ref[...] = jnp.zeros_like(y_ref)


def _gmm(tile_expert, tile_active, x16, tok2d, rw2d, Wg, Wu, Wd):
    grid_spec = pltpu.PrefetchScalarGridSpec(
        num_scalar_prefetch=2,
        grid=(NT,),
        in_specs=[
            pl.BlockSpec((T, D), lambda i, te, act: (0, 0)),
            pl.BlockSpec((GB, 1), lambda i, te, act: (i, 0)),
            pl.BlockSpec((GB, 1), lambda i, te, act: (i, 0)),
            pl.BlockSpec((1, D, F), lambda i, te, act: (te[i], 0, 0)),
            pl.BlockSpec((1, D, F), lambda i, te, act: (te[i], 0, 0)),
            pl.BlockSpec((1, F, D), lambda i, te, act: (te[i], 0, 0)),
        ],
        out_specs=pl.BlockSpec((GB, D), lambda i, te, act: (i, 0)),
    )
    return pl.pallas_call(
        _gmm_body,
        grid_spec=grid_spec,
        out_shape=jax.ShapeDtypeStruct((P, D), jnp.bfloat16),
        compiler_params=pltpu.CompilerParams(
            dimension_semantics=("arbitrary",),
            vmem_limit_bytes=100 * 1024 * 1024,
        ),
    )(tile_expert, tile_active, x16, tok2d, rw2d, Wg, Wu, Wd)


CB = 512


def _combine_mm_body(y_ref, p0_ref, p1_ref, out_ref):
    iota_p = lax.broadcasted_iota(jnp.int32, (CB, P), 1)
    oh = ((p0_ref[...] == iota_p) | (p1_ref[...] == iota_p)).astype(jnp.bfloat16)
    out_ref[...] = jnp.dot(oh, y_ref[...], preferred_element_type=jnp.float32)


def _combine_mm(y16, pos0, pos1):
    return pl.pallas_call(
        _combine_mm_body,
        grid=(T // CB,),
        in_specs=[
            pl.BlockSpec((P, D), lambda i: (0, 0)),
            pl.BlockSpec((CB, 1), lambda i: (i, 0)),
            pl.BlockSpec((CB, 1), lambda i: (i, 0)),
        ],
        out_specs=pl.BlockSpec((CB, D), lambda i: (i, 0)),
        out_shape=jax.ShapeDtypeStruct((T, D), jnp.float32),
        compiler_params=pltpu.CompilerParams(
            vmem_limit_bytes=100 * 1024 * 1024,
        ),
    )(y16, pos0, pos1)


def kernel(x, W_router, e_score_correction_bias, Wg, Wu, Wd):
    topk_idx, topk_w, x16 = _router(x, W_router, e_score_correction_bias)
    tok_per_slot, rw, pos0, pos1, te, ta = _dispatch(
        topk_idx.reshape(-1), topk_w.reshape(-1))
    y16 = _gmm(te[:NT], ta[:NT], x16, tok_per_slot.reshape(P, 1),
               rw.reshape(P, 1), Wg, Wu, Wd)
    out = _combine_mm(y16, pos0.reshape(T, 1), pos1.reshape(T, 1))
    return out, topk_idx

# --- scband reference (transcript-rebuilt; emitter-appended) ---
"""Pipeline reference for scband-neuron-mini-max-m2-decoder-layer-79989470921200 (READ-ONLY COPY).

The authoritative reference and input builder live on the scoring server;
editing this copy changes nothing except your own understanding.
"""

import jax, jax.numpy as jnp
import numpy as np

T = 2048        # batch(1) * seq_len(2048)
D = 2048        # hidden_size
F = 1024        # intermediate_size
E = 8           # num_experts
K = 2           # top_k

def setup_inputs(seed: int = 0) -> dict:
    key = jax.random.key(seed)
    k_x, k_r, k_b, k_g, k_u, k_d = jax.random.split(key, 6)
    x = jax.random.normal(k_x, (T, D), dtype=jnp.float32)
    # router linear (no bias on linear itself); per-expert score correction bias
    W_router = jax.random.normal(k_r, (E, D), dtype=jnp.float32) * (1.0 / np.sqrt(D))
    e_score_correction_bias = jax.random.normal(k_b, (E,), dtype=jnp.float32) * 0.01
    # GLU expert MLPs: gate, up, down
    Wg = jax.random.normal(k_g, (E, D, F), dtype=jnp.float32) * (1.0 / np.sqrt(D))
    Wu = jax.random.normal(k_u, (E, D, F), dtype=jnp.float32) * (1.0 / np.sqrt(D))
    Wd = jax.random.normal(k_d, (E, F, D), dtype=jnp.float32) * (1.0 / np.sqrt(F))
    return {"x": x, "W_router": W_router,
            "e_score_correction_bias": e_score_correction_bias,
            "Wg": Wg, "Wu": Wu, "Wd": Wd}

def reference(x, W_router, e_score_correction_bias, Wg, Wu, Wd):
    # ---- RouterTopKWithBias ----
    # router computed in fp32; sigmoid act over all experts (apply_act_fn_over_topk=False)
    logits = jnp.dot(x.astype(jnp.float32), W_router.T)           # [T, E]
    scores = jax.nn.sigmoid(logits)                               # [T, E]
    # e_score_correction_bias affects expert CHOICE only, not combine weights
    scores_for_choice = scores + e_score_correction_bias[None, :]
    _, topk_idx = jax.lax.top_k(scores_for_choice, K)             # [T, K]
    topk_weights = jnp.take_along_axis(scores, topk_idx, axis=1)  # [T, K]
    # normalize_top_k_affinities=True
    topk_weights = topk_weights / (jnp.sum(topk_weights, axis=-1, keepdims=True) + 1e-20)
    # ---- ExpertMLPs (GLU / SwiGLU), dense combine formulation ----
    one_hot = jax.nn.one_hot(topk_idx, E, dtype=x.dtype)          # [T, K, E]
    combine = jnp.einsum('tke,tk->te', one_hot, topk_weights.astype(x.dtype))  # [T, E]
    h_g = jnp.einsum('td,edf->etf', x, Wg)                        # [E, T, F]
    h_u = jnp.einsum('td,edf->etf', x, Wu)                        # [E, T, F]
    h = jax.nn.silu(h_g) * h_u                                    # [E, T, F]
    y_e = jnp.einsum('etf,efd->etd', h, Wd)                       # [E, T, D]
    out = jnp.einsum('te,etd->td', combine, y_e)                  # [T, D]
    return out, topk_idx

if __name__ == "__main__":
    import jax
    _d = setup_inputs()
    print(jax.jit(kernel)(*tuple(_d.values())))

</pallas_src>

<mosaic_0001>
#map = affine_map<(d0, d1) -> (0)>
module attributes {stable_mosaic.version = 14 : i64} {
  func.func @_dispatch_body(%arg0: i32, %arg1: i32, %arg2: memref<4096xi32, #tpu.memory_space<hbm>>, %arg3: memref<4096xf32, #tpu.memory_space<hbm>>, %arg4: memref<5888xi32, #tpu.memory_space<hbm>>, %arg5: memref<5888xf32, #tpu.memory_space<hbm>>, %arg6: memref<2048xi32, #tpu.memory_space<hbm>>, %arg7: memref<2048xi32, #tpu.memory_space<hbm>>, %arg8: memref<32xi32, #tpu.memory_space<hbm>>, %arg9: memref<32xi32, #tpu.memory_space<hbm>>, %arg10: memref<4096xi32, #tpu.memory_space<vmem>>, %arg11: memref<4096xf32, #tpu.memory_space<vmem>>, %arg12: memref<4096xi32, #tpu.memory_space<vmem>>, %arg13: memref<5888xi32, #tpu.memory_space<vmem>>, %arg14: memref<5888xf32, #tpu.memory_space<vmem>>, %arg15: memref<2048xi32, #tpu.memory_space<vmem>>, %arg16: memref<2048xi32, #tpu.memory_space<vmem>>, %arg17: memref<16xi32, #tpu.memory_space<vmem>>, %arg18: memref<16xi32, #tpu.memory_space<vmem>>, %arg19: memref<16xi32, #tpu.memory_space<vmem>>, %arg20: memref<32xi32, #tpu.memory_space<vmem>>, %arg21: memref<32xi32, #tpu.memory_space<vmem>>) attributes {dimension_semantics = [#tpu.dimension_semantics<core_parallel>, #tpu.dimension_semantics<subcore_parallel>], iteration_bounds = array<i64: 2, 16>, scalar_prefetch = 0 : i64, scratch_operands = 12 : i64, tpu.core_type = #tpu.core_type<sc_vector_subcore>, window_params = [{transform_indices = #map}, {transform_indices = #map}, {transform_indices = #map}, {transform_indices = #map}, {transform_indices = #map}, {transform_indices = #map}, {transform_indices = #map}, {transform_indices = #map}]} {
    %mul3A = arith.constant 2 : i32
    %mul3A_0 = arith.muli %arg1, %mul3A : i32
    %add3A = arith.addi %mul3A_0, %arg0 : i32
    %eq3A = arith.constant 0 : i32
    %eq3A_1 = arith.cmpi eq, %add3A, %eq3A : i32
    %convert_element_type3A = arith.extui %eq3A_1 : i1 to i32
    %cond3A = arith.constant 0 : i32
    %cond3A_2 = arith.cmpi ne, %convert_element_type3A, %cond3A : i32
    scf.if %cond3A_2 {
      "tpu.region"() ({
        %run_scoped3A = tpu.sem_alloc : memref<!tpu.dma_semaphore, #tpu.memory_space<semaphore_mem>>
        tpu.enqueue_dma source(%arg2 : memref<4096xi32, #tpu.memory_space<hbm>>) target(%arg10 : memref<4096xi32, #tpu.memory_space<vmem>>) target_semaphore(%run_scoped3A : memref<!tpu.dma_semaphore, #tpu.memory_space<semaphore_mem>>)
        tpu.wait_dma2 semaphore(%run_scoped3A : memref<!tpu.dma_semaphore, #tpu.memory_space<semaphore_mem>>) src(%arg2 : memref<4096xi32, #tpu.memory_space<hbm>>) dst(%arg10 : memref<4096xi32, #tpu.memory_space<vmem>>)
        tpu.yield
      }) : () -> ()
      "tpu.region"() ({
        %run_scoped3A = tpu.sem_alloc : memref<!tpu.dma_semaphore, #tpu.memory_space<semaphore_mem>>
        tpu.enqueue_dma source(%arg3 : memref<4096xf32, #tpu.memory_space<hbm>>) target(%arg11 : memref<4096xf32, #tpu.memory_space<vmem>>) target_semaphore(%run_scoped3A : memref<!tpu.dma_semaphore, #tpu.memory_space<semaphore_mem>>)
        tpu.wait_dma2 semaphore(%run_scoped3A : memref<!tpu.dma_semaphore, #tpu.memory_space<semaphore_mem>>) src(%arg3 : memref<4096xf32, #tpu.memory_space<hbm>>) dst(%arg11 : memref<4096xf32, #tpu.memory_space<vmem>>)
        tpu.yield
      }) : () -> ()
      %broadcast_in_dim3A = arith.constant 0 : i32
      %broadcast_in_dim3A_3 = vector.broadcast %broadcast_in_dim3A : i32 to vector<16xi32>
      %swap3A = arith.constant 0 : index
      %swap3A_4 = tpu.vector_load %arg17[%swap3A] {strides = array<i32>} : memref<16xi32, #tpu.memory_space<vmem>>, vector<16xi32>,
      tpu.vector_store %arg17[%swap3A], %broadcast_in_dim3A_3 {strides = array<i32>} : memref<16xi32, #tpu.memory_space<vmem>>, vector<16xi32>,
      %scan3A = arith.constant 0 : i32
      %scan3A_5 = arith.constant 0 : i32
      %scan3A_6 = arith.constant 368 : i32
      %scan3A_7 = arith.addi %scan3A_5, %scan3A_6 : i32
      %scan3A_8 = arith.constant 1 : i32
      scf.for %scan3A_217 = %scan3A_5 to %scan3A_7 step %scan3A_8  : i32 {
        %broadcast_in_dim3A_218 = arith.constant 0 : i32
        %broadcast_in_dim3A_219 = vector.broadcast %broadcast_in_dim3A_218 : i32 to vector<16xi32>
        %mul3A_220 = arith.constant 16 : i32
        %mul3A_221 = arith.muli %scan3A_217, %mul3A_220 : i32
        %swap3A_222 = arith.index_cast %mul3A_221 : i32 to index
        %swap3A_223 = tpu.vector_load %arg13[%swap3A_222] {strides = array<i32>} : memref<5888xi32, #tpu.memory_space<vmem>>, vector<16xi32>,
        tpu.vector_store %arg13[%swap3A_222], %broadcast_in_dim3A_219 {strides = array<i32>} : memref<5888xi32, #tpu.memory_space<vmem>>, vector<16xi32>,
        %broadcast_in_dim3A_224 = arith.constant 0.000000e+00 : f32
        %broadcast_in_dim3A_225 = vector.broadcast %broadcast_in_dim3A_224 : f32 to vector<16xf32>
        %mul3A_226 = arith.constant 16 : i32
        %mul3A_227 = arith.muli %scan3A_217, %mul3A_226 : i32
        %swap3A_228 = arith.index_cast %mul3A_227 : i32 to index
        %swap3A_229 = tpu.vector_load %arg14[%swap3A_228] {strides = array<i32>} : memref<5888xf32, #tpu.memory_space<vmem>>, vector<16xf32>,
        tpu.vector_store %arg14[%swap3A_228], %broadcast_in_dim3A_225 {strides = array<i32>} : memref<5888xf32, #tpu.memory_space<vmem>>, vector<16xf32>,
      }
      %scan3A_9 = arith.constant 368 : i32
      %broadcast_in_dim3A_10 = arith.constant 0 : i32
      %broadcast_in_dim3A_11 = vector.broadcast %broadcast_in_dim3A_10 : i32 to vector<16xi32>
      %broadcast_in_dim3A_12 = arith.constant true
      %broadcast_in_dim3A_13 = vector.broadcast %broadcast_in_dim3A_12 : i1 to vector<16xi1>
      %unique3A, %unique3A_14 = tpu.scan_count mask(%broadcast_in_dim3A_13 : vector<16xi1>) value(%broadcast_in_dim3A_11 : vector<16xi32>) : vector<16xi1>, vector<16xi32>
      %iota3A = tpu.iota {dimensions = array<i32: 0>} : vector<16xi32>
      %sub3A = arith.subi %unique3A_14, %iota3A : vector<16xi32>
      %scan3A_15 = arith.constant 0 : i32
      %scan3A_16 = arith.constant 0 : i32
      %scan3A_17 = arith.constant 256 : i32
      %scan3A_18 = arith.addi %scan3A_16, %scan3A_17 : i32
      %scan3A_19 = arith.constant 1 : i32
      scf.for %scan3A_217 = %scan3A_16 to %scan3A_18 step %scan3A_19  : i32 {
        %mul3A_218 = arith.constant 16 : i32
        %mul3A_219 = arith.muli %scan3A_217, %mul3A_218 : i32
        %get3A_220 = arith.index_cast %mul3A_219 : i32 to index
        %get3A_221 = tpu.vector_load %arg10[%get3A_220] {strides = array<i32>} : memref<4096xi32, #tpu.memory_space<vmem>>, vector<16xi32>,
        %gather3A = tpu.vector_load_idx %arg17[%get3A_221] : memref<16xi32, #tpu.memory_space<vmem>>[vector<16xi32>], vector<16xi32>,
        %broadcast_in_dim3A_222 = arith.constant true
        %broadcast_in_dim3A_223 = vector.broadcast %broadcast_in_dim3A_222 : i1 to vector<16xi1>
        %unique3A_224, %unique3A_225 = tpu.scan_count mask(%broadcast_in_dim3A_223 : vector<16xi1>) value(%get3A_221 : vector<16xi32>) : vector<16xi1>, vector<16xi32>
        %add3A_226 = arith.addi %gather3A, %unique3A_225 : vector<16xi32>
        %sub3A_227 = arith.subi %add3A_226, %sub3A : vector<16xi32>
        %mul3A_228 = arith.constant 16 : i32
        %mul3A_229 = arith.muli %scan3A_217, %mul3A_228 : i32
        %swap3A_230 = arith.index_cast %mul3A_229 : i32 to index
        %swap3A_231 = tpu.vector_load %arg12[%swap3A_230] {strides = array<i32>} : memref<4096xi32, #tpu.memory_space<vmem>>, vector<16xi32>,
        tpu.vector_store %arg12[%swap3A_230], %sub3A_227 {strides = array<i32>} : memref<4096xi32, #tpu.memory_space<vmem>>, vector<16xi32>,
        %add3A_232 = arith.constant 1 : i32
        %add3A_233 = vector.broadcast %add3A_232 : i32 to vector<16xi32>
        %add3A_234 = arith.addi %sub3A_227, %add3A_233 : vector<16xi32>
        tpu.vector_store_idx %arg17[%get3A_221], %add3A_234 masked %unique3A_224 : memref<16xi32, #tpu.memory_space<vmem>>[vector<16xi32>], vector<16xi32>, vector<16xi1>
      }
      %scan3A_20 = arith.constant 256 : i32
      %get3A = arith.constant 0 : index
      %get3A_21 = tpu.vector_load %arg17[%get3A] {strides = array<i32>} : memref<16xi32, #tpu.memory_space<vmem>>, vector<16xi32>,
      %add3A_22 = arith.constant 255 : i32
      %add3A_23 = vector.broadcast %add3A_22 : i32 to vector<16xi32>
      %add3A_24 = arith.addi %get3A_21, %add3A_23 : vector<16xi32>
      %shift_right_arithmetic3A = arith.constant 8 : i32
      %shift_right_arithmetic3A_25 = vector.broadcast %shift_right_arithmetic3A : i32 to vector<16xi32>
      %shift_right_arithmetic3A_26 = arith.shrsi %add3A_24, %shift_right_arithmetic3A_25 : vector<16xi32>
      %shift_left3A = arith.constant 8 : i32
      %shift_left3A_27 = vector.broadcast %shift_left3A : i32 to vector<16xi32>
      %shift_left3A_28 = arith.shli %shift_right_arithmetic3A_26, %shift_left3A_27 : vector<16xi32>
      %broadcast_in_dim3A_29 = arith.constant true
      %broadcast_in_dim3A_30 = vector.broadcast %broadcast_in_dim3A_29 : i1 to vector<16xi1>
      %masked_cumsum3A = tpu.scan <sum>, %shift_left3A_28 masked %broadcast_in_dim3A_30 : vector<16xi32>, vector<16xi1> -> vector<16xi32>
      %sub3A_31 = arith.subi %masked_cumsum3A, %shift_left3A_28 : vector<16xi32>
      %swap3A_32 = arith.constant 0 : index
      %swap3A_33 = tpu.vector_load %arg18[%swap3A_32] {strides = array<i32>} : memref<16xi32, #tpu.memory_space<vmem>>, vector<16xi32>,
      tpu.vector_store %arg18[%swap3A_32], %sub3A_31 {strides = array<i32>} : memref<16xi32, #tpu.memory_space<vmem>>, vector<16xi32>,
      %swap3A_34 = arith.constant 0 : index
      %swap3A_35 = tpu.vector_load %arg19[%swap3A_34] {strides = array<i32>} : memref<16xi32, #tpu.memory_space<vmem>>, vector<16xi32>,
      tpu.vector_store %arg19[%swap3A_34], %masked_cumsum3A {strides = array<i32>} : memref<16xi32, #tpu.memory_space<vmem>>, vector<16xi32>,
      %iota3A_36 = tpu.iota {dimensions = array<i32: 0>} : vector<16xi32>
      %mul3A_37 = arith.constant 256 : i32
      %mul3A_38 = vector.broadcast %mul3A_37 : i32 to vector<16xi32>
      %mul3A_39 = arith.muli %iota3A_36, %mul3A_38 : vector<16xi32>
      %iota3A_40 = tpu.iota {dimensions = array<i32: 0>} : vector<16xi32>
      %add3A_41 = arith.constant 16 : i32
      %add3A_42 = vector.broadcast %add3A_41 : i32 to vector<16xi32>
      %add3A_43 = arith.addi %iota3A_40, %add3A_42 : vector<16xi32>
      %mul3A_44 = arith.constant 256 : i32
      %mul3A_45 = vector.broadcast %mul3A_44 : i32 to vector<16xi32>
      %mul3A_46 = arith.muli %add3A_43, %mul3A_45 : vector<16xi32>
      %broadcast_in_dim3A_47 = arith.constant 0 : i32
      %broadcast_in_dim3A_48 = vector.broadcast %broadcast_in_dim3A_47 : i32 to vector<16xi32>
      %broadcast_in_dim3A_49 = arith.constant 0 : i32
      %broadcast_in_dim3A_50 = vector.broadcast %broadcast_in_dim3A_49 : i32 to vector<16xi32>
      %slice3A = vector.extract_strided_slice %masked_cumsum3A {offsets = [0], sizes = [1], strides = [1]} : vector<16xi32> to vector<1xi32>
      %squeeze3A = vector.extract %slice3A[0] : i32 from vector<1xi32>
      %ge3A = vector.broadcast %squeeze3A : i32 to vector<16xi32>
      %ge3A_51 = arith.cmpi sge, %mul3A_39, %ge3A : vector<16xi32>
      %jit3A = arith.constant 1 : i32
      %jit3A_52 = arith.constant 0 : i32
      %broadcast_in_dim3A_53 = vector.broadcast %jit3A : i32 to vector<16xi32>
      %broadcast_in_dim3A_54 = vector.broadcast %jit3A_52 : i32 to vector<16xi32>
      %select_n3A = arith.select %ge3A_51, %broadcast_in_dim3A_53, %broadcast_in_dim3A_54 : vector<16xi1>, vector<16xi32>
      %add3A_55 = arith.addi %broadcast_in_dim3A_48, %select_n3A : vector<16xi32>
      %ge3A_56 = vector.broadcast %squeeze3A : i32 to vector<16xi32>
      %ge3A_57 = arith.cmpi sge, %mul3A_46, %ge3A_56 : vector<16xi32>
      %jit3A_58 = arith.constant 1 : i32
      %jit3A_59 = arith.constant 0 : i32
      %broadcast_in_dim3A_60 = vector.broadcast %jit3A_58 : i32 to vector<16xi32>
      %broadcast_in_dim3A_61 = vector.broadcast %jit3A_59 : i32 to vector<16xi32>
      %select_n3A_62 = arith.select %ge3A_57, %broadcast_in_dim3A_60, %broadcast_in_dim3A_61 : vector<16xi1>, vector<16xi32>
      %add3A_63 = arith.addi %broadcast_in_dim3A_50, %select_n3A_62 : vector<16xi32>
      %slice3A_64 = vector.extract_strided_slice %masked_cumsum3A {offsets = [1], sizes = [1], strides = [1]} : vector<16xi32> to vector<1xi32>
      %squeeze3A_65 = vector.extract %slice3A_64[0] : i32 from vector<1xi32>
      %ge3A_66 = vector.broadcast %squeeze3A_65 : i32 to vector<16xi32>
      %ge3A_67 = arith.cmpi sge, %mul3A_39, %ge3A_66 : vector<16xi32>
      %jit3A_68 = arith.constant 1 : i32
      %jit3A_69 = arith.constant 0 : i32
      %broadcast_in_dim3A_70 = vector.broadcast %jit3A_68 : i32 to vector<16xi32>
      %broadcast_in_dim3A_71 = vector.broadcast %jit3A_69 : i32 to vector<16xi32>
      %select_n3A_72 = arith.select %ge3A_67, %broadcast_in_dim3A_70, %broadcast_in_dim3A_71 : vector<16xi1>, vector<16xi32>
      %add3A_73 = arith.addi %add3A_55, %select_n3A_72 : vector<16xi32>
      %ge3A_74 = vector.broadcast %squeeze3A_65 : i32 to vector<16xi32>
      %ge3A_75 = arith.cmpi sge, %mul3A_46, %ge3A_74 : vector<16xi32>
      %jit3A_76 = arith.constant 1 : i32
      %jit3A_77 = arith.constant 0 : i32
      %broadcast_in_dim3A_78 = vector.broadcast %jit3A_76 : i32 to vector<16xi32>
      %broadcast_in_dim3A_79 = vector.broadcast %jit3A_77 : i32 to vector<16xi32>
      %select_n3A_80 = arith.select %ge3A_75, %broadcast_in_dim3A_78, %broadcast_in_dim3A_79 : vector<16xi1>, vector<16xi32>
      %add3A_81 = arith.addi %add3A_63, %select_n3A_80 : vector<16xi32>
      %slice3A_82 = vector.extract_strided_slice %masked_cumsum3A {offsets = [2], sizes = [1], strides = [1]} : vector<16xi32> to vector<1xi32>
      %squeeze3A_83 = vector.extract %slice3A_82[0] : i32 from vector<1xi32>
      %ge3A_84 = vector.broadcast %squeeze3A_83 : i32 to vector<16xi32>
      %ge3A_85 = arith.cmpi sge, %mul3A_39, %ge3A_84 : vector<16xi32>
      %jit3A_86 = arith.constant 1 : i32
      %jit3A_87 = arith.constant 0 : i32
      %broadcast_in_dim3A_88 = vector.broadcast %jit3A_86 : i32 to vector<16xi32>
      %broadcast_in_dim3A_89 = vector.broadcast %jit3A_87 : i32 to vector<16xi32>
      %select_n3A_90 = arith.select %ge3A_85, %broadcast_in_dim3A_88, %broadcast_in_dim3A_89 : vector<16xi1>, vector<16xi32>
      %add3A_91 = arith.addi %add3A_73, %select_n3A_90 : vector<16xi32>
      %ge3A_92 = vector.broadcast %squeeze3A_83 : i32 to vector<16xi32>
      %ge3A_93 = arith.cmpi sge, %mul3A_46, %ge3A_92 : vector<16xi32>
      %jit3A_94 = arith.constant 1 : i32
      %jit3A_95 = arith.constant 0 : i32
      %broadcast_in_dim3A_96 = vector.broadcast %jit3A_94 : i32 to vector<16xi32>
      %broadcast_in_dim3A_97 = vector.broadcast %jit3A_95 : i32 to vector<16xi32>
      %select_n3A_98 = arith.select %ge3A_93, %broadcast_in_dim3A_96, %broadcast_in_dim3A_97 : vector<16xi1>, vector<16xi32>
      %add3A_99 = arith.addi %add3A_81, %select_n3A_98 : vector<16xi32>
      %slice3A_100 = vector.extract_strided_slice %masked_cumsum3A {offsets = [3], sizes = [1], strides = [1]} : vector<16xi32> to vector<1xi32>
      %squeeze3A_101 = vector.extract %slice3A_100[0] : i32 from vector<1xi32>
      %ge3A_102 = vector.broadcast %squeeze3A_101 : i32 to vector<16xi32>
      %ge3A_103 = arith.cmpi sge, %mul3A_39, %ge3A_102 : vector<16xi32>
      %jit3A_104 = arith.constant 1 : i32
      %jit3A_105 = arith.constant 0 : i32
      %broadcast_in_dim3A_106 = vector.broadcast %jit3A_104 : i32 to vector<16xi32>
      %broadcast_in_dim3A_107 = vector.broadcast %jit3A_105 : i32 to vector<16xi32>
      %select_n3A_108 = arith.select %ge3A_103, %broadcast_in_dim3A_106, %broadcast_in_dim3A_107 : vector<16xi1>, vector<16xi32>
      %add3A_109 = arith.addi %add3A_91, %select_n3A_108 : vector<16xi32>
      %ge3A_110 = vector.broadcast %squeeze3A_101 : i32 to vector<16xi32>
      %ge3A_111 = arith.cmpi sge, %mul3A_46, %ge3A_110 : vector<16xi32>
      %jit3A_112 = arith.constant 1 : i32
      %jit3A_113 = arith.constant 0 : i32
      %broadcast_in_dim3A_114 = vector.broadcast %jit3A_112 : i32 to vector<16xi32>
      %broadcast_in_dim3A_115 = vector.broadcast %jit3A_113 : i32 to vector<16xi32>
      %select_n3A_116 = arith.select %ge3A_111, %broadcast_in_dim3A_114, %broadcast_in_dim3A_115 : vector<16xi1>, vector<16xi32>
      %add3A_117 = arith.addi %add3A_99, %select_n3A_116 : vector<16xi32>
      %slice3A_118 = vector.extract_strided_slice %masked_cumsum3A {offsets = [4], sizes = [1], strides = [1]} : vector<16xi32> to vector<1xi32>
      %squeeze3A_119 = vector.extract %slice3A_118[0] : i32 from vector<1xi32>
      %ge3A_120 = vector.broadcast %squeeze3A_119 : i32 to vector<16xi32>
      %ge3A_121 = arith.cmpi sge, %mul3A_39, %ge3A_120 : vector<16xi32>
      %jit3A_122 = arith.constant 1 : i32
      %jit3A_123 = arith.constant 0 : i32
      %broadcast_in_dim3A_124 = vector.broadcast %jit3A_122 : i32 to vector<16xi32>
      %broadcast_in_dim3A_125 = vector.broadcast %jit3A_123 : i32 to vector<16xi32>
      %select_n3A_126 = arith.select %ge3A_121, %broadcast_in_dim3A_124, %broadcast_in_dim3A_125 : vector<16xi1>, vector<16xi32>
      %add3A_127 = arith.addi %add3A_109, %select_n3A_126 : vector<16xi32>
      %ge3A_128 = vector.broadcast %squeeze3A_119 : i32 to vector<16xi32>
      %ge3A_129 = arith.cmpi sge, %mul3A_46, %ge3A_128 : vector<16xi32>
      %jit3A_130 = arith.constant 1 : i32
      %jit3A_131 = arith.constant 0 : i32
      %broadcast_in_dim3A_132 = vector.broadcast %jit3A_130 : i32 to vector<16xi32>
      %broadcast_in_dim3A_133 = vector.broadcast %jit3A_131 : i32 to vector<16xi32>
      %select_n3A_134 = arith.select %ge3A_129, %broadcast_in_dim3A_132, %broadcast_in_dim3A_133 : vector<16xi1>, vector<16xi32>
      %add3A_135 = arith.addi %add3A_117, %select_n3A_134 : vector<16xi32>
      %slice3A_136 = vector.extract_strided_slice %masked_cumsum3A {offsets = [5], sizes = [1], strides = [1]} : vector<16xi32> to vector<1xi32>
      %squeeze3A_137 = vector.extract %slice3A_136[0] : i32 from vector<1xi32>
      %ge3A_138 = vector.broadcast %squeeze3A_137 : i32 to vector<16xi32>
      %ge3A_139 = arith.cmpi sge, %mul3A_39, %ge3A_138 : vector<16xi32>
      %jit3A_140 = arith.constant 1 : i32
      %jit3A_141 = arith.constant 0 : i32
      %broadcast_in_dim3A_142 = vector.broadcast %jit3A_140 : i32 to vector<16xi32>
      %broadcast_in_dim3A_143 = vector.broadcast %jit3A_141 : i32 to vector<16xi32>
      %select_n3A_144 = arith.select %ge3A_139, %broadcast_in_dim3A_142, %broadcast_in_dim3A_143 : vector<16xi1>, vector<16xi32>
      %add3A_145 = arith.addi %add3A_127, %select_n3A_144 : vector<16xi32>
      %ge3A_146 = vector.broadcast %squeeze3A_137 : i32 to vector<16xi32>
      %ge3A_147 = arith.cmpi sge, %mul3A_46, %ge3A_146 : vector<16xi32>
      %jit3A_148 = arith.constant 1 : i32
      %jit3A_149 = arith.constant 0 : i32
      %broadcast_in_dim3A_150 = vector.broadcast %jit3A_148 : i32 to vector<16xi32>
      %broadcast_in_dim3A_151 = vector.broadcast %jit3A_149 : i32 to vector<16xi32>
      %select_n3A_152 = arith.select %ge3A_147, %broadcast_in_dim3A_150, %broadcast_in_dim3A_151 : vector<16xi1>, vector<16xi32>
      %add3A_153 = arith.addi %add3A_135, %select_n3A_152 : vector<16xi32>
      %slice3A_154 = vector.extract_strided_slice %masked_cumsum3A {offsets = [6], sizes = [1], strides = [1]} : vector<16xi32> to vector<1xi32>
      %squeeze3A_155 = vector.extract %slice3A_154[0] : i32 from vector<1xi32>
      %ge3A_156 = vector.broadcast %squeeze3A_155 : i32 to vector<16xi32>
      %ge3A_157 = arith.cmpi sge, %mul3A_39, %ge3A_156 : vector<16xi32>
      %jit3A_158 = arith.constant 1 : i32
      %jit3A_159 = arith.constant 0 : i32
      %broadcast_in_dim3A_160 = vector.broadcast %jit3A_158 : i32 to vector<16xi32>
      %broadcast_in_dim3A_161 = vector.broadcast %jit3A_159 : i32 to vector<16xi32>
      %select_n3A_162 = arith.select %ge3A_157, %broadcast_in_dim3A_160, %broadcast_in_dim3A_161 : vector<16xi1>, vector<16xi32>
      %add3A_163 = arith.addi %add3A_145, %select_n3A_162 : vector<16xi32>
      %ge3A_164 = vector.broadcast %squeeze3A_155 : i32 to vector<16xi32>
      %ge3A_165 = arith.cmpi sge, %mul3A_46, %ge3A_164 : vector<16xi32>
      %jit3A_166 = arith.constant 1 : i32
      %jit3A_167 = arith.constant 0 : i32
      %broadcast_in_dim3A_168 = vector.broadcast %jit3A_166 : i32 to vector<16xi32>
      %broadcast_in_dim3A_169 = vector.broadcast %jit3A_167 : i32 to vector<16xi32>
      %select_n3A_170 = arith.select %ge3A_165, %broadcast_in_dim3A_168, %broadcast_in_dim3A_169 : vector<16xi1>, vector<16xi32>
      %add3A_171 = arith.addi %add3A_153, %select_n3A_170 : vector<16xi32>
      %slice3A_172 = vector.extract_strided_slice %masked_cumsum3A {offsets = [7], sizes = [1], strides = [1]} : vector<16xi32> to vector<1xi32>
      %squeeze3A_173 = vector.extract %slice3A_172[0] : i32 from vector<1xi32>
      %ge3A_174 = vector.broadcast %squeeze3A_173 : i32 to vector<16xi32>
      %ge3A_175 = arith.cmpi sge, %mul3A_39, %ge3A_174 : vector<16xi32>
      %jit3A_176 = arith.constant 1 : i32
      %jit3A_177 = arith.constant 0 : i32
      %broadcast_in_dim3A_178 = vector.broadcast %jit3A_176 : i32 to vector<16xi32>
      %broadcast_in_dim3A_179 = vector.broadcast %jit3A_177 : i32 to vector<16xi32>
      %select_n3A_180 = arith.select %ge3A_175, %broadcast_in_dim3A_178, %broadcast_in_dim3A_179 : vector<16xi1>, vector<16xi32>
      %add3A_181 = arith.addi %add3A_163, %select_n3A_180 : vector<16xi32>
      %ge3A_182 = vector.broadcast %squeeze3A_173 : i32 to vector<16xi32>
      %ge3A_183 = arith.cmpi sge, %mul3A_46, %ge3A_182 : vector<16xi32>
      %jit3A_184 = arith.constant 1 : i32
      %jit3A_185 = arith.constant 0 : i32
      %broadcast_in_dim3A_186 = vector.broadcast %jit3A_184 : i32 to vector<16xi32>
      %broadcast_in_dim3A_187 = vector.broadcast %jit3A_185 : i32 to vector<16xi32>
      %select_n3A_188 = arith.select %ge3A_183, %broadcast_in_dim3A_186, %broadcast_in_dim3A_187 : vector<16xi1>, vector<16xi32>
      %add3A_189 = arith.addi %add3A_171, %select_n3A_188 : vector<16xi32>
      %slice3A_190 = vector.extract_strided_slice %masked_cumsum3A {offsets = [7], sizes = [1], strides = [1]} : vector<16xi32> to vector<1xi32>
      %squeeze3A_191 = vector.extract %slice3A_190[0] : i32 from vector<1xi32>
      %min3A = arith.constant 7 : i32
      %min3A_192 = vector.broadcast %min3A : i32 to vector<16xi32>
      %min3A_193 = arith.minsi %add3A_181, %min3A_192 : vector<16xi32>
      %swap3A_194 = arith.constant 0 : index
      %swap3A_195 = tpu.vector_load %arg20[%swap3A_194] {strides = array<i32>} : memref<32xi32, #tpu.memory_space<vmem>>, vector<16xi32>,
      tpu.vector_store %arg20[%swap3A_194], %min3A_193 {strides = array<i32>} : memref<32xi32, #tpu.memory_space<vmem>>, vector<16xi32>,
      %min3A_196 = arith.constant 7 : i32
      %min3A_197 = vector.broadcast %min3A_196 : i32 to vector<16xi32>
      %min3A_198 = arith.minsi %add3A_189, %min3A_197 : vector<16xi32>
      %swap3A_199 = arith.constant 16 : index
      %swap3A_200 = tpu.vector_load %arg20[%swap3A_199] {strides = array<i32>} : memref<32xi32, #tpu.memory_space<vmem>>, vector<16xi32>,
      tpu.vector_store %arg20[%swap3A_199], %min3A_198 {strides = array<i32>} : memref<32xi32, #tpu.memory_space<vmem>>, vector<16xi32>,
      %lt3A = vector.broadcast %squeeze3A_191 : i32 to vector<16xi32>
      %lt3A_201 = arith.cmpi slt, %mul3A_39, %lt3A : vector<16xi32>
      %convert_element_type3A_202 = arith.extui %lt3A_201 : vector<16xi1> to vector<16xi32>
      %swap3A_203 = arith.constant 0 : index
      %swap3A_204 = tpu.vector_load %arg21[%swap3A_203] {strides = array<i32>} : memref<32xi32, #tpu.memory_space<vmem>>, vector<16xi32>,
      tpu.vector_store %arg21[%swap3A_203], %convert_element_type3A_202 {strides = array<i32>} : memref<32xi32, #tpu.memory_space<vmem>>, vector<16xi32>,
      %lt3A_205 = vector.broadcast %squeeze3A_191 : i32 to vector<16xi32>
      %lt3A_206 = arith.cmpi slt, %mul3A_46, %lt3A_205 : vector<16xi32>
      %convert_element_type3A_207 = arith.extui %lt3A_206 : vector<16xi1> to vector<16xi32>
      %swap3A_208 = arith.constant 16 : index
      %swap3A_209 = tpu.vector_load %arg21[%swap3A_208] {strides = array<i32>} : memref<32xi32, #tpu.memory_space<vmem>>, vector<16xi32>,
      tpu.vector_store %arg21[%swap3A_208], %convert_element_type3A_207 {strides = array<i32>} : memref<32xi32, #tpu.memory_space<vmem>>, vector<16xi32>,
      "tpu.region"() ({
        %run_scoped3A = tpu.sem_alloc : memref<!tpu.dma_semaphore, #tpu.memory_space<semaphore_mem>>
        tpu.enqueue_dma source(%arg20 : memref<32xi32, #tpu.memory_space<vmem>>) target(%arg8 : memref<32xi32, #tpu.memory_space<hbm>>) target_semaphore(%run_scoped3A : memref<!tpu.dma_semaphore, #tpu.memory_space<semaphore_mem>>)
        tpu.wait_dma2 semaphore(%run_scoped3A : memref<!tpu.dma_semaphore, #tpu.memory_space<semaphore_mem>>) src(%arg20 : memref<32xi32, #tpu.memory_space<vmem>>) dst(%arg8 : memref<32xi32, #tpu.memory_space<hbm>>)
        tpu.yield
      }) : () -> ()
      "tpu.region"() ({
        %run_scoped3A = tpu.sem_alloc : memref<!tpu.dma_semaphore, #tpu.memory_space<semaphore_mem>>
        tpu.enqueue_dma source(%arg21 : memref<32xi32, #tpu.memory_space<vmem>>) target(%arg9 : memref<32xi32, #tpu.memory_space<hbm>>) target_semaphore(%run_scoped3A : memref<!tpu.dma_semaphore, #tpu.memory_space<semaphore_mem>>)
        tpu.wait_dma2 semaphore(%run_scoped3A : memref<!tpu.dma_semaphore, #tpu.memory_space<semaphore_mem>>) src(%arg21 : memref<32xi32, #tpu.memory_space<vmem>>) dst(%arg9 : memref<32xi32, #tpu.memory_space<hbm>>)
        tpu.yield
      }) : () -> ()
      %iota3A_210 = tpu.iota {dimensions = array<i32: 0>} : vector<16xi32>
      %scan3A_211 = arith.constant 0 : i32
      %scan3A_212 = arith.constant 0 : i32
      %scan3A_213 = arith.constant 256 : i32
      %scan3A_214 = arith.addi %scan3A_212, %scan3A_213 : i32
      %scan3A_215 = arith.constant 1 : i32
      scf.for %scan3A_217 = %scan3A_212 to %scan3A_214 step %scan3A_215  : i32 {
        %mul3A_218 = arith.constant 16 : i32
        %mul3A_219 = arith.muli %scan3A_217, %mul3A_218 : i32
        %get3A_220 = arith.index_cast %mul3A_219 : i32 to index
        %get3A_221 = tpu.vector_load %arg10[%get3A_220] {strides = array<i32>} : memref<4096xi32, #tpu.memory_space<vmem>>, vector<16xi32>,
        %mul3A_222 = arith.constant 16 : i32
        %mul3A_223 = arith.muli %scan3A_217, %mul3A_222 : i32
        %get3A_224 = arith.index_cast %mul3A_223 : i32 to index
        %get3A_225 = tpu.vector_load %arg11[%get3A_224] {strides = array<i32>} : memref<4096xf32, #tpu.memory_space<vmem>>, vector<16xf32>,
        %mul3A_226 = arith.constant 16 : i32
        %mul3A_227 = arith.muli %scan3A_217, %mul3A_226 : i32
        %get3A_228 = arith.index_cast %mul3A_227 : i32 to index
        %get3A_229 = tpu.vector_load %arg12[%get3A_228] {strides = array<i32>} : memref<4096xi32, #tpu.memory_space<vmem>>, vector<16xi32>,
        %gather3A = tpu.vector_load_idx %arg18[%get3A_221] : memref<16xi32, #tpu.memory_space<vmem>>[vector<16xi32>], vector<16xi32>,
        %add3A_230 = arith.addi %gather3A, %get3A_229 : vector<16xi32>
        %mul3A_231 = arith.constant 16 : i32
        %mul3A_232 = arith.muli %scan3A_217, %mul3A_231 : i32
        %add3A_233 = vector.broadcast %mul3A_232 : i32 to vector<16xi32>
        %add3A_234 = arith.addi %add3A_233, %iota3A_210 : vector<16xi32>
        %shift_right_arithmetic3A_235 = arith.constant 1 : i32
        %shift_right_arithmetic3A_236 = vector.broadcast %shift_right_arithmetic3A_235 : i32 to vector<16xi32>
        %shift_right_arithmetic3A_237 = arith.shrsi %add3A_234, %shift_right_arithmetic3A_236 : vector<16xi32>
        %and3A = arith.constant 1 : i32
        %and3A_238 = vector.broadcast %and3A : i32 to vector<16xi32>
        %and3A_239 = arith.andi %add3A_234, %and3A_238 : vector<16xi32>
        tpu.vector_store_idx %arg13[%add3A_230], %shift_right_arithmetic3A_237 : memref<5888xi32, #tpu.memory_space<vmem>>[vector<16xi32>], vector<16xi32>,
        tpu.vector_store_idx %arg14[%add3A_230], %get3A_225 : memref<5888xf32, #tpu.memory_space<vmem>>[vector<16xi32>], vector<16xf32>,
        %eq3A_240 = arith.constant 0 : i32
        %eq3A_241 = vector.broadcast %eq3A_240 : i32 to vector<16xi32>
        %eq3A_242 = arith.cmpi eq, %and3A_239, %eq3A_241 : vector<16xi32>
        tpu.vector_store_idx %arg15[%shift_right_arithmetic3A_237], %add3A_230 masked %eq3A_242 : memref<2048xi32, #tpu.memory_space<vmem>>[vector<16xi32>], vector<16xi32>, vector<16xi1>
        %eq3A_243 = arith.constant 1 : i32
        %eq3A_244 = vector.broadcast %eq3A_243 : i32 to vector<16xi32>
        %eq3A_245 = arith.cmpi eq, %and3A_239, %eq3A_244 : vector<16xi32>
        tpu.vector_store_idx %arg16[%shift_right_arithmetic3A_237], %add3A_230 masked %eq3A_245 : memref<2048xi32, #tpu.memory_space<vmem>>[vector<16xi32>], vector<16xi32>, vector<16xi1>
      }
      %scan3A_216 = arith.constant 256 : i32
      "tpu.region"() ({
        %run_scoped3A = tpu.sem_alloc : memref<!tpu.dma_semaphore, #tpu.memory_space<semaphore_mem>>
        tpu.enqueue_dma source(%arg13 : memref<5888xi32, #tpu.memory_space<vmem>>) target(%arg4 : memref<5888xi32, #tpu.memory_space<hbm>>) target_semaphore(%run_scoped3A : memref<!tpu.dma_semaphore, #tpu.memory_space<semaphore_mem>>)
        tpu.wait_dma2 semaphore(%run_scoped3A : memref<!tpu.dma_semaphore, #tpu.memory_space<semaphore_mem>>) src(%arg13 : memref<5888xi32, #tpu.memory_space<vmem>>) dst(%arg4 : memref<5888xi32, #tpu.memory_space<hbm>>)
        tpu.yield
      }) : () -> ()
      "tpu.region"() ({
        %run_scoped3A = tpu.sem_alloc : memref<!tpu.dma_semaphore, #tpu.memory_space<semaphore_mem>>
        tpu.enqueue_dma source(%arg14 : memref<5888xf32, #tpu.memory_space<vmem>>) target(%arg5 : memref<5888xf32, #tpu.memory_space<hbm>>) target_semaphore(%run_scoped3A : memref<!tpu.dma_semaphore, #tpu.memory_space<semaphore_mem>>)
        tpu.wait_dma2 semaphore(%run_scoped3A : memref<!tpu.dma_semaphore, #tpu.memory_space<semaphore_mem>>) src(%arg14 : memref<5888xf32, #tpu.memory_space<vmem>>) dst(%arg5 : memref<5888xf32, #tpu.memory_space<hbm>>)
        tpu.yield
      }) : () -> ()
      "tpu.region"() ({
        %run_scoped3A = tpu.sem_alloc : memref<!tpu.dma_semaphore, #tpu.memory_space<semaphore_mem>>
        tpu.enqueue_dma source(%arg15 : memref<2048xi32, #tpu.memory_space<vmem>>) target(%arg6 : memref<2048xi32, #tpu.memory_space<hbm>>) target_semaphore(%run_scoped3A : memref<!tpu.dma_semaphore, #tpu.memory_space<semaphore_mem>>)
        tpu.wait_dma2 semaphore(%run_scoped3A : memref<!tpu.dma_semaphore, #tpu.memory_space<semaphore_mem>>) src(%arg15 : memref<2048xi32, #tpu.memory_space<vmem>>) dst(%arg6 : memref<2048xi32, #tpu.memory_space<hbm>>)
        tpu.yield
      }) : () -> ()
      "tpu.region"() ({
        %run_scoped3A = tpu.sem_alloc : memref<!tpu.dma_semaphore, #tpu.memory_space<semaphore_mem>>
        tpu.enqueue_dma source(%arg16 : memref<2048xi32, #tpu.memory_space<vmem>>) target(%arg7 : memref<2048xi32, #tpu.memory_space<hbm>>) target_semaphore(%run_scoped3A : memref<!tpu.dma_semaphore, #tpu.memory_space<semaphore_mem>>)
        tpu.wait_dma2 semaphore(%run_scoped3A : memref<!tpu.dma_semaphore, #tpu.memory_space<semaphore_mem>>) src(%arg16 : memref<2048xi32, #tpu.memory_space<vmem>>) dst(%arg7 : memref<2048xi32, #tpu.memory_space<hbm>>)
        tpu.yield
      }) : () -> ()
    } else {
    }
    return
  }
}

module attributes {stable_mosaic.version = 14 : i64} {
  func.func @_router_body(%arg0: i32, %arg1: memref<512x2048xf32, #tpu.memory_space<vmem>>, %arg2: memref<2048x8xf32, #tpu.memory_space<vmem>>, %arg3: memref<1x8xf32, #tpu.memory_space<vmem>>, %arg4: memref<512x2xi32, #tpu.memory_space<vmem>>, %arg5: memref<512x2xf32, #tpu.memory_space<vmem>>, %arg6: memref<512x2048xbf16, #tpu.memory_space<vmem>>) attributes {dimension_semantics = [#tpu.dimension_semantics<arbitrary>], iteration_bounds = array<i64: 4>, scalar_prefetch = 0 : i64, scratch_operands = 0 : i64, tpu.core_type = #tpu.core_type<tc>, window_params = [{transform_indices = @transform_0, window_bounds = array<i64: 512, 2048>}, {pipeline_mode = #tpu.pipeline_mode<synchronous>, transform_indices = @transform_1, window_bounds = array<i64: 2048, 8>}, {pipeline_mode = #tpu.pipeline_mode<synchronous>, transform_indices = @transform_2, window_bounds = array<i64: 1, 8>}, {transform_indices = @transform_3, window_bounds = array<i64: 512, 2>}, {transform_indices = @transform_4, window_bounds = array<i64: 512, 2>}, {transform_indices = @transform_5, window_bounds = array<i64: 512, 2048>}]} {
    %get3A = arith.constant 0 : index
    %get3A_0 = arith.constant 0 : index
    %get3A_1 = vector.load %arg1[%get3A, %get3A_0] : memref<512x2048xf32, #tpu.memory_space<vmem>>, vector<512x2048xf32>
    %convert_element_type3A = arith.truncf %get3A_1 : vector<512x2048xf32> to vector<512x2048xbf16>
    %swap3A = arith.constant 0 : index
    %swap3A_2 = arith.constant 0 : index
    %swap3A_3 = vector.load %arg6[%swap3A, %swap3A_2] : memref<512x2048xbf16, #tpu.memory_space<vmem>>, vector<512x2048xbf16>
    tpu.vector_store %arg6[%swap3A, %swap3A_2], %convert_element_type3A {strides = array<i32>} : memref<512x2048xbf16, #tpu.memory_space<vmem>>, vector<512x2048xbf16>,
    %get3A_4 = arith.constant 0 : index
    %get3A_5 = arith.constant 0 : index
    %get3A_6 = vector.load %arg1[%get3A_4, %get3A_5] : memref<512x2048xf32, #tpu.memory_space<vmem>>, vector<512x2048xf32>
    %get3A_7 = arith.constant 0 : index
    %get3A_8 = arith.constant 0 : index
    %get3A_9 = vector.load %arg2[%get3A_7, %get3A_8] : memref<2048x8xf32, #tpu.memory_space<vmem>>, vector<2048x8xf32>
    %dot_general3A = arith.constant dense<0.000000e+00> : vector<512x8xf32>
    %dot_general3A_10 = tpu.matmul %get3A_6, %get3A_9, %dot_general3A {dimension_numbers = #tpu.dot_dimension_numbers<[1], [0], [0], [1], [0, 0, 1, 1], [], []>, transpose_lhs_hint = false} : vector<512x2048xf32>, vector<2048x8xf32>, vector<512x8xf32> -> vector<512x8xf32>
    %logistic3A = arith.negf %dot_general3A_10 : vector<512x8xf32>
    %logistic3A_11 = math.exp %logistic3A : vector<512x8xf32>
    %logistic3A_12 = arith.constant 1.000000e+00 : f32
    %logistic3A_13 = vector.broadcast %logistic3A_12 : f32 to vector<512x8xf32>
    %logistic3A_14 = arith.addf %logistic3A_13, %logistic3A_11 : vector<512x8xf32>
    %logistic3A_15 = arith.divf %logistic3A_13, %logistic3A_14 : vector<512x8xf32>
    %get3A_16 = arith.constant 0 : index
    %get3A_17 = arith.constant 0 : index
    %get3A_18 = vector.load %arg3[%get3A_16, %get3A_17] : memref<1x8xf32, #tpu.memory_space<vmem>>, vector<1x8xf32>
    %add3A = vector.broadcast %get3A_18 : vector<1x8xf32> to vector<512x8xf32>
    %add3A_19 = arith.addf %logistic3A_15, %add3A : vector<512x8xf32>
    %iota3A = tpu.iota {dimensions = array<i32: 1>} : vector<512x8xi32>
    %reduce_max3A = arith.constant dense<0xFF800000> : vector<512xf32>
    %reduce_max3A_20 = vector.multi_reduction <maximumf>, %add3A_19, %reduce_max3A [1] : vector<512x8xf32> to vector<512xf32>
    %broadcast_in_dim3A = vector.shape_cast %reduce_max3A_20 : vector<512xf32> to vector<512x1xf32>
    %eq3A = vector.broadcast %broadcast_in_dim3A : vector<512x1xf32> to vector<512x8xf32>
    %eq3A_21 = arith.cmpf oeq, %add3A_19, %eq3A : vector<512x8xf32>
    %jit3A = arith.constant 8 : i32
    %broadcast_in_dim3A_22 = vector.broadcast %jit3A : i32 to vector<512x8xi32>
    %select_n3A = arith.select %eq3A_21, %iota3A, %broadcast_in_dim3A_22 : vector<512x8xi1>, vector<512x8xi32>
    %reduce_min3A = arith.constant dense<2147483647> : vector<512xi32>
    %reduce_min3A_23 = vector.multi_reduction <minsi>, %select_n3A, %reduce_min3A [1] : vector<512x8xi32> to vector<512xi32>
    %broadcast_in_dim3A_24 = vector.shape_cast %reduce_min3A_23 : vector<512xi32> to vector<512x1xi32>
    %eq3A_25 = vector.broadcast %broadcast_in_dim3A_24 : vector<512x1xi32> to vector<512x8xi32>
    %eq3A_26 = arith.cmpi eq, %iota3A, %eq3A_25 : vector<512x8xi32>
    %jit3A_27 = arith.constant 0xFF800000 : f32
    %broadcast_in_dim3A_28 = vector.broadcast %jit3A_27 : f32 to vector<512x8xf32>
    %select_n3A_29 = arith.select %eq3A_26, %broadcast_in_dim3A_28, %add3A_19 : vector<512x8xi1>, vector<512x8xf32>
    %reduce_max3A_30 = arith.constant dense<0xFF800000> : vector<512xf32>
    %reduce_max3A_31 = vector.multi_reduction <maximumf>, %select_n3A_29, %reduce_max3A_30 [1] : vector<512x8xf32> to vector<512xf32>
    %broadcast_in_dim3A_32 = vector.shape_cast %reduce_max3A_31 : vector<512xf32> to vector<512x1xf32>
    %eq3A_33 = vector.broadcast %broadcast_in_dim3A_32 : vector<512x1xf32> to vector<512x8xf32>
    %eq3A_34 = arith.cmpf oeq, %select_n3A_29, %eq3A_33 : vector<512x8xf32>
    %jit3A_35 = arith.constant 8 : i32
    %broadcast_in_dim3A_36 = vector.broadcast %jit3A_35 : i32 to vector<512x8xi32>
    %select_n3A_37 = arith.select %eq3A_34, %iota3A, %broadcast_in_dim3A_36 : vector<512x8xi1>, vector<512x8xi32>
    %reduce_min3A_38 = arith.constant dense<2147483647> : vector<512xi32>
    %reduce_min3A_39 = vector.multi_reduction <minsi>, %select_n3A_37, %reduce_min3A_38 [1] : vector<512x8xi32> to vector<512xi32>
    %broadcast_in_dim3A_40 = vector.shape_cast %reduce_min3A_39 : vector<512xi32> to vector<512x1xi32>
    %eq3A_41 = vector.broadcast %broadcast_in_dim3A_24 : vector<512x1xi32> to vector<512x8xi32>
    %eq3A_42 = arith.cmpi eq, %iota3A, %eq3A_41 : vector<512x8xi32>
    %jit3A_43 = arith.constant 0.000000e+00 : f32
    %broadcast_in_dim3A_44 = vector.broadcast %jit3A_43 : f32 to vector<512x8xf32>
    %select_n3A_45 = arith.select %eq3A_42, %logistic3A_15, %broadcast_in_dim3A_44 : vector<512x8xi1>, vector<512x8xf32>
    %reduce_sum3A = arith.constant dense<0.000000e+00> : vector<512xf32>
    %reduce_sum3A_46 = vector.multi_reduction <add>, %select_n3A_45, %reduce_sum3A [1] : vector<512x8xf32> to vector<512xf32>
    %broadcast_in_dim3A_47 = vector.shape_cast %reduce_sum3A_46 : vector<512xf32> to vector<512x1xf32>
    %eq3A_48 = vector.broadcast %broadcast_in_dim3A_40 : vector<512x1xi32> to vector<512x8xi32>
    %eq3A_49 = arith.cmpi eq, %iota3A, %eq3A_48 : vector<512x8xi32>
    %jit3A_50 = arith.constant 0.000000e+00 : f32
    %broadcast_in_dim3A_51 = vector.broadcast %jit3A_50 : f32 to vector<512x8xf32>
    %select_n3A_52 = arith.select %eq3A_49, %logistic3A_15, %broadcast_in_dim3A_51 : vector<512x8xi1>, vector<512x8xf32>
    %reduce_sum3A_53 = arith.constant dense<0.000000e+00> : vector<512xf32>
    %reduce_sum3A_54 = vector.multi_reduction <add>, %select_n3A_52, %reduce_sum3A_53 [1] : vector<512x8xf32> to vector<512xf32>
    %broadcast_in_dim3A_55 = vector.shape_cast %reduce_sum3A_54 : vector<512xf32> to vector<512x1xf32>
    %add3A_56 = arith.addf %broadcast_in_dim3A_47, %broadcast_in_dim3A_55 : vector<512x1xf32>
    %add3A_57 = arith.constant 9.99999968E-21 : f32
    %add3A_58 = vector.broadcast %add3A_57 : f32 to vector<512x1xf32>
    %add3A_59 = arith.addf %add3A_56, %add3A_58 : vector<512x1xf32>
    %concatenate3A = tpu.concatenate %broadcast_in_dim3A_24, %broadcast_in_dim3A_40 in 1 : vector<512x1xi32>, vector<512x1xi32> -> vector<512x2xi32>
    %swap3A_60 = arith.constant 0 : index
    %swap3A_61 = arith.constant 0 : index
    %swap3A_62 = vector.load %arg4[%swap3A_60, %swap3A_61] : memref<512x2xi32, #tpu.memory_space<vmem>>, vector<512x2xi32>
    tpu.vector_store %arg4[%swap3A_60, %swap3A_61], %concatenate3A {strides = array<i32>} : memref<512x2xi32, #tpu.memory_space<vmem>>, vector<512x2xi32>,
    %div3A = arith.divf %broadcast_in_dim3A_47, %add3A_59 : vector<512x1xf32>
    %div3A_63 = arith.divf %broadcast_in_dim3A_55, %add3A_59 : vector<512x1xf32>
    %concatenate3A_64 = tpu.concatenate %div3A, %div3A_63 in 1 : vector<512x1xf32>, vector<512x1xf32> -> vector<512x2xf32>
    %swap3A_65 = arith.constant 0 : index
    %swap3A_66 = arith.constant 0 : index
    %swap3A_67 = vector.load %arg5[%swap3A_65, %swap3A_66] : memref<512x2xf32, #tpu.memory_space<vmem>>, vector<512x2xf32>
    tpu.vector_store %arg5[%swap3A_65, %swap3A_66], %concatenate3A_64 {strides = array<i32>} : memref<512x2xf32, #tpu.memory_space<vmem>>, vector<512x2xf32>,
    return
  }
  func.func @transform_0(%arg0: i32) -> (i32, i32) {
    %c0_i32 = arith.constant 0 : i32
    %c0_i32_0 = arith.constant 0 : i32
    return %arg0, %c0_i32 : i32, i32
  }
  func.func @transform_1(%arg0: i32) -> (i32, i32) {
    %c0_i32 = arith.constant 0 : i32
    %c0_i32_0 = arith.constant 0 : i32
    %c0_i32_1 = arith.constant 0 : i32
    return %c0_i32, %c0_i32_0 : i32, i32
  }
  func.func @transform_2(%arg0: i32) -> (i32, i32) {
    %c0_i32 = arith.constant 0 : i32
    %c0_i32_0 = arith.constant 0 : i32
    %c0_i32_1 = arith.constant 0 : i32
    return %c0_i32, %c0_i32_0 : i32, i32
  }
  func.func @transform_3(%arg0: i32) -> (i32, i32) {
    %c0_i32 = arith.constant 0 : i32
    %c0_i32_0 = arith.constant 0 : i32
    return %arg0, %c0_i32 : i32, i32
  }
  func.func @transform_4(%arg0: i32) -> (i32, i32) {
    %c0_i32 = arith.constant 0 : i32
    %c0_i32_0 = arith.constant 0 : i32
    return %arg0, %c0_i32 : i32, i32
  }
  func.func @transform_5(%arg0: i32) -> (i32, i32) {
    %c0_i32 = arith.constant 0 : i32
    %c0_i32_0 = arith.constant 0 : i32
    return %arg0, %c0_i32 : i32, i32
  }
}

module attributes {stable_mosaic.version = 14 : i64} {
  func.func @_gmm_body(%arg0: i32, %arg1: memref<23xi32, #tpu.memory_space<smem>>, %arg2: memref<23xi32, #tpu.memory_space<smem>>, %arg3: memref<2048x2048xbf16, #tpu.memory_space<vmem>>, %arg4: memref<256x1xi32, #tpu.memory_space<vmem>>, %arg5: memref<256x1xf32, #tpu.memory_space<vmem>>, %arg6: memref<1x2048x1024xf32, #tpu.memory_space<vmem>>, %arg7: memref<1x2048x1024xf32, #tpu.memory_space<vmem>>, %arg8: memref<1x1024x2048xf32, #tpu.memory_space<vmem>>, %arg9: memref<256x2048xbf16, #tpu.memory_space<vmem>>) attributes {dimension_semantics = [#tpu.dimension_semantics<arbitrary>], iteration_bounds = array<i64: 23>, scalar_prefetch = 2 : i64, scratch_operands = 0 : i64, tpu.core_type = #tpu.core_type<tc>, window_params = [{pipeline_mode = #tpu.pipeline_mode<synchronous>, transform_indices = @transform_0, window_bounds = array<i64: 2048, 2048>}, {transform_indices = @transform_1, window_bounds = array<i64: 256, 1>}, {transform_indices = @transform_2, window_bounds = array<i64: 256, 1>}, {transform_indices = @transform_3, window_bounds = array<i64: 1, 2048, 1024>}, {transform_indices = @transform_4, window_bounds = array<i64: 1, 2048, 1024>}, {transform_indices = @transform_5, window_bounds = array<i64: 1, 1024, 2048>}, {transform_indices = @transform_6, window_bounds = array<i64: 256, 2048>}]} {
    %get3A = arith.index_cast %arg0 : i32 to index
    %get3A_0 = memref.load %arg2[%get3A] : memref<23xi32, #tpu.memory_space<smem>>
    %ne3A = arith.constant 0 : i32
    %ne3A_1 = arith.cmpi ne, %get3A_0, %ne3A : i32
    %convert_element_type3A = arith.extui %ne3A_1 : i1 to i32
    %cond3A = arith.constant 0 : i32
    %cond3A_2 = arith.cmpi ne, %convert_element_type3A, %cond3A : i32
    scf.if %cond3A_2 {
      %iota3A = tpu.iota {dimensions = array<i32: 1>} : vector<256x2048xi32>
      %get3A_9 = arith.constant 0 : index
      %get3A_10 = arith.constant 0 : index
      %get3A_11 = vector.load %arg4[%get3A_9, %get3A_10] : memref<256x1xi32, #tpu.memory_space<vmem>>, vector<256x1xi32>
      %eq3A_12 = vector.broadcast %get3A_11 : vector<256x1xi32> to vector<256x2048xi32>
      %eq3A_13 = arith.cmpi eq, %eq3A_12, %iota3A : vector<256x2048xi32>
      %convert_element_type3A_14 = arith.extui %eq3A_13 : vector<256x2048xi1> to vector<256x2048xi32>
      %convert_element_type3A_15 = arith.sitofp %convert_element_type3A_14 : vector<256x2048xi32> to vector<256x2048xf32>
      %convert_element_type3A_16 = arith.truncf %convert_element_type3A_15 : vector<256x2048xf32> to vector<256x2048xbf16>
      %get3A_17 = arith.constant 0 : index
      %get3A_18 = arith.constant 0 : index
      %get3A_19 = vector.load %arg3[%get3A_17, %get3A_18] : memref<2048x2048xbf16, #tpu.memory_space<vmem>>, vector<2048x2048xbf16>
      %dot_general3A = arith.constant dense<0.000000e+00> : vector<256x2048xf32>
      %dot_general3A_20 = tpu.matmul %convert_element_type3A_16, %get3A_19, %dot_general3A {dimension_numbers = #tpu.dot_dimension_numbers<[1], [0], [0], [1], [0, 0, 1, 1], [], []>, transpose_lhs_hint = false} : vector<256x2048xbf16>, vector<2048x2048xbf16>, vector<256x2048xf32> -> vector<256x2048xf32>
      %convert_element_type3A_21 = arith.truncf %dot_general3A_20 : vector<256x2048xf32> to vector<256x2048xbf16>
      %get3A_22 = arith.constant 0 : index
      %get3A_23 = arith.constant 0 : index
      %get3A_24 = arith.constant 0 : index
      %get3A_25 = vector.load %arg6[%get3A_22, %get3A_23, %get3A_24] : memref<1x2048x1024xf32, #tpu.memory_space<vmem>>, vector<1x2048x1024xf32>
      %get3A_26 = vector.shape_cast %get3A_25 : vector<1x2048x1024xf32> to vector<2048x1024xf32>
      %convert_element_type3A_27 = arith.truncf %get3A_26 : vector<2048x1024xf32> to vector<2048x1024xbf16>
      %get3A_28 = arith.constant 0 : index
      %get3A_29 = arith.constant 0 : index
      %get3A_30 = arith.constant 0 : index
      %get3A_31 = vector.load %arg7[%get3A_28, %get3A_29, %get3A_30] : memref<1x2048x1024xf32, #tpu.memory_space<vmem>>, vector<1x2048x1024xf32>
      %get3A_32 = vector.shape_cast %get3A_31 : vector<1x2048x1024xf32> to vector<2048x1024xf32>
      %convert_element_type3A_33 = arith.truncf %get3A_32 : vector<2048x1024xf32> to vector<2048x1024xbf16>
      %dot_general3A_34 = arith.constant dense<0.000000e+00> : vector<256x1024xf32>
      %dot_general3A_35 = tpu.matmul %convert_element_type3A_21, %convert_element_type3A_27, %dot_general3A_34 {dimension_numbers = #tpu.dot_dimension_numbers<[1], [0], [0], [1], [0, 0, 1, 1], [], []>, transpose_lhs_hint = false} : vector<256x2048xbf16>, vector<2048x1024xbf16>, vector<256x1024xf32> -> vector<256x1024xf32>
      %dot_general3A_36 = arith.constant dense<0.000000e+00> : vector<256x1024xf32>
      %dot_general3A_37 = tpu.matmul %convert_element_type3A_21, %convert_element_type3A_33, %dot_general3A_36 {dimension_numbers = #tpu.dot_dimension_numbers<[1], [0], [0], [1], [0, 0, 1, 1], [], []>, transpose_lhs_hint = false} : vector<256x2048xbf16>, vector<2048x1024xbf16>, vector<256x1024xf32> -> vector<256x1024xf32>
      %logistic3A = arith.negf %dot_general3A_35 : vector<256x1024xf32>
      %logistic3A_38 = math.exp %logistic3A : vector<256x1024xf32>
      %logistic3A_39 = arith.constant 1.000000e+00 : f32
      %logistic3A_40 = vector.broadcast %logistic3A_39 : f32 to vector<256x1024xf32>
      %logistic3A_41 = arith.addf %logistic3A_40, %logistic3A_38 : vector<256x1024xf32>
      %logistic3A_42 = arith.divf %logistic3A_40, %logistic3A_41 : vector<256x1024xf32>
      %mul3A = arith.mulf %dot_general3A_35, %logistic3A_42 : vector<256x1024xf32>
      %mul3A_43 = arith.mulf %mul3A, %dot_general3A_37 : vector<256x1024xf32>
      %get3A_44 = arith.constant 0 : index
      %get3A_45 = arith.constant 0 : index
      %get3A_46 = vector.load %arg5[%get3A_44, %get3A_45] : memref<256x1xf32, #tpu.memory_space<vmem>>, vector<256x1xf32>
      %mul3A_47 = vector.broadcast %get3A_46 : vector<256x1xf32> to vector<256x1024xf32>
      %mul3A_48 = arith.mulf %mul3A_43, %mul3A_47 : vector<256x1024xf32>
      %convert_element_type3A_49 = arith.truncf %mul3A_48 : vector<256x1024xf32> to vector<256x1024xbf16>
      %get3A_50 = arith.constant 0 : index
      %get3A_51 = arith.constant 0 : index
      %get3A_52 = arith.constant 0 : index
      %get3A_53 = vector.load %arg8[%get3A_50, %get3A_51, %get3A_52] : memref<1x1024x2048xf32, #tpu.memory_space<vmem>>, vector<1x1024x2048xf32>
      %get3A_54 = vector.shape_cast %get3A_53 : vector<1x1024x2048xf32> to vector<1024x2048xf32>
      %convert_element_type3A_55 = arith.truncf %get3A_54 : vector<1024x2048xf32> to vector<1024x2048xbf16>
      %dot_general3A_56 = arith.constant dense<0.000000e+00> : vector<256x2048xf32>
      %dot_general3A_57 = tpu.matmul %convert_element_type3A_49, %convert_element_type3A_55, %dot_general3A_56 {dimension_numbers = #tpu.dot_dimension_numbers<[1], [0], [0], [1], [0, 0, 1, 1], [], []>, transpose_lhs_hint = false} : vector<256x1024xbf16>, vector<1024x2048xbf16>, vector<256x2048xf32> -> vector<256x2048xf32>
      %convert_element_type3A_58 = arith.truncf %dot_general3A_57 : vector<256x2048xf32> to vector<256x2048xbf16>
      %swap3A = arith.constant 0 : index
      %swap3A_59 = arith.constant 0 : index
      %swap3A_60 = vector.load %arg9[%swap3A, %swap3A_59] : memref<256x2048xbf16, #tpu.memory_space<vmem>>, vector<256x2048xbf16>
      tpu.vector_store %arg9[%swap3A, %swap3A_59], %convert_element_type3A_58 {strides = array<i32>} : memref<256x2048xbf16, #tpu.memory_space<vmem>>, vector<256x2048xbf16>,
    } else {
    }
    %get3A_3 = arith.index_cast %arg0 : i32 to index
    %get3A_4 = memref.load %arg2[%get3A_3] : memref<23xi32, #tpu.memory_space<smem>>
    %eq3A = arith.constant 0 : i32
    %eq3A_5 = arith.cmpi eq, %get3A_4, %eq3A : i32
    %convert_element_type3A_6 = arith.extui %eq3A_5 : i1 to i32
    %cond3A_7 = arith.constant 0 : i32
    %cond3A_8 = arith.cmpi ne, %convert_element_type3A_6, %cond3A_7 : i32
    scf.if %cond3A_8 {
      %broadcast_in_dim3A = arith.constant 0.000000e+00 : bf16
      %broadcast_in_dim3A_9 = vector.broadcast %broadcast_in_dim3A : bf16 to vector<256x2048xbf16>
      %swap3A = arith.constant 0 : index
      %swap3A_10 = arith.constant 0 : index
      %swap3A_11 = vector.load %arg9[%swap3A, %swap3A_10] : memref<256x2048xbf16, #tpu.memory_space<vmem>>, vector<256x2048xbf16>
      tpu.vector_store %arg9[%swap3A, %swap3A_10], %broadcast_in_dim3A_9 {strides = array<i32>} : memref<256x2048xbf16, #tpu.memory_space<vmem>>, vector<256x2048xbf16>,
    } else {
    }
    return
  }
  func.func @transform_0(%arg0: i32, %arg1: memref<23xi32, #tpu.memory_space<smem>>, %arg2: memref<23xi32, #tpu.memory_space<smem>>) -> (i32, i32) {
    %c0_i32 = arith.constant 0 : i32
    %c0_i32_0 = arith.constant 0 : i32
    %c0_i32_1 = arith.constant 0 : i32
    return %c0_i32, %c0_i32_0 : i32, i32
  }
  func.func @transform_1(%arg0: i32, %arg1: memref<23xi32, #tpu.memory_space<smem>>, %arg2: memref<23xi32, #tpu.memory_space<smem>>) -> (i32, i32) {
    %c0_i32 = arith.constant 0 : i32
    %c0_i32_0 = arith.constant 0 : i32
    return %arg0, %c0_i32 : i32, i32
  }
  func.func @transform_2(%arg0: i32, %arg1: memref<23xi32, #tpu.memory_space<smem>>, %arg2: memref<23xi32, #tpu.memory_space<smem>>) -> (i32, i32) {
    %c0_i32 = arith.constant 0 : i32
    %c0_i32_0 = arith.constant 0 : i32
    return %arg0, %c0_i32 : i32, i32
  }
  func.func @transform_3(%arg0: i32, %arg1: memref<23xi32, #tpu.memory_space<smem>>, %arg2: memref<23xi32, #tpu.memory_space<smem>>) -> (i32, i32, i32) {
    %get3A = arith.index_cast %arg0 : i32 to index
    %get3A_0 = memref.load %arg1[%get3A] : memref<23xi32, #tpu.memory_space<smem>>
    %c0_i32 = arith.constant 0 : i32
    %c0_i32_1 = arith.constant 0 : i32
    %c0_i32_2 = arith.constant 0 : i32
    return %get3A_0, %c0_i32, %c0_i32_1 : i32, i32, i32
  }
  func.func @transform_4(%arg0: i32, %arg1: memref<23xi32, #tpu.memory_space<smem>>, %arg2: memref<23xi32, #tpu.memory_space<smem>>) -> (i32, i32, i32) {
    %get3A = arith.index_cast %arg0 : i32 to index
    %get3A_0 = memref.load %arg1[%get3A] : memref<23xi32, #tpu.memory_space<smem>>
    %c0_i32 = arith.constant 0 : i32
    %c0_i32_1 = arith.constant 0 : i32
    %c0_i32_2 = arith.constant 0 : i32
    return %get3A_0, %c0_i32, %c0_i32_1 : i32, i32, i32
  }
  func.func @transform_5(%arg0: i32, %arg1: memref<23xi32, #tpu.memory_space<smem>>, %arg2: memref<23xi32, #tpu.memory_space<smem>>) -> (i32, i32, i32) {
    %get3A = arith.index_cast %arg0 : i32 to index
    %get3A_0 = memref.load %arg1[%get3A] : memref<23xi32, #tpu.memory_space<smem>>
    %c0_i32 = arith.constant 0 : i32
    %c0_i32_1 = arith.constant 0 : i32
    %c0_i32_2 = arith.constant 0 : i32
    return %get3A_0, %c0_i32, %c0_i32_1 : i32, i32, i32
  }
  func.func @transform_6(%arg0: i32, %arg1: memref<23xi32, #tpu.memory_space<smem>>, %arg2: memref<23xi32, #tpu.memory_space<smem>>) -> (i32, i32) {
    %c0_i32 = arith.constant 0 : i32
    %c0_i32_0 = arith.constant 0 : i32
    return %arg0, %c0_i32 : i32, i32
  }
}

module attributes {stable_mosaic.version = 14 : i64} {
  func.func @_combine_mm_body(%arg0: i32, %arg1: memref<5888x2048xbf16, #tpu.memory_space<vmem>>, %arg2: memref<512x1xi32, #tpu.memory_space<vmem>>, %arg3: memref<512x1xi32, #tpu.memory_space<vmem>>, %arg4: memref<512x2048xf32, #tpu.memory_space<vmem>>) attributes {dimension_semantics = [#tpu.dimension_semantics<arbitrary>], iteration_bounds = array<i64: 4>, scalar_prefetch = 0 : i64, scratch_operands = 0 : i64, tpu.core_type = #tpu.core_type<tc>, window_params = [{pipeline_mode = #tpu.pipeline_mode<synchronous>, transform_indices = @transform_0, window_bounds = array<i64: 5888, 2048>}, {transform_indices = @transform_1, window_bounds = array<i64: 512, 1>}, {transform_indices = @transform_2, window_bounds = array<i64: 512, 1>}, {transform_indices = @transform_3, window_bounds = array<i64: 512, 2048>}]} {
    %iota3A = tpu.iota {dimensions = array<i32: 1>} : vector<512x5888xi32>
    %get3A = arith.constant 0 : index
    %get3A_0 = arith.constant 0 : index
    %get3A_1 = vector.load %arg2[%get3A, %get3A_0] : memref<512x1xi32, #tpu.memory_space<vmem>>, vector<512x1xi32>
    %eq3A = vector.broadcast %get3A_1 : vector<512x1xi32> to vector<512x5888xi32>
    %eq3A_2 = arith.cmpi eq, %eq3A, %iota3A : vector<512x5888xi32>
    %get3A_3 = arith.constant 0 : index
    %get3A_4 = arith.constant 0 : index
    %get3A_5 = vector.load %arg3[%get3A_3, %get3A_4] : memref<512x1xi32, #tpu.memory_space<vmem>>, vector<512x1xi32>
    %eq3A_6 = vector.broadcast %get3A_5 : vector<512x1xi32> to vector<512x5888xi32>
    %eq3A_7 = arith.cmpi eq, %eq3A_6, %iota3A : vector<512x5888xi32>
    %or3A = arith.ori %eq3A_2, %eq3A_7 : vector<512x5888xi1>
    %convert_element_type3A = arith.extui %or3A : vector<512x5888xi1> to vector<512x5888xi32>
    %convert_element_type3A_8 = arith.sitofp %convert_element_type3A : vector<512x5888xi32> to vector<512x5888xf32>
    %convert_element_type3A_9 = arith.truncf %convert_element_type3A_8 : vector<512x5888xf32> to vector<512x5888xbf16>
    %get3A_10 = arith.constant 0 : index
    %get3A_11 = arith.constant 0 : index
    %get3A_12 = vector.load %arg1[%get3A_10, %get3A_11] : memref<5888x2048xbf16, #tpu.memory_space<vmem>>, vector<5888x2048xbf16>
    %dot_general3A = arith.constant dense<0.000000e+00> : vector<512x2048xf32>
    %dot_general3A_13 = tpu.matmul %convert_element_type3A_9, %get3A_12, %dot_general3A {dimension_numbers = #tpu.dot_dimension_numbers<[1], [0], [0], [1], [0, 0, 1, 1], [], []>, transpose_lhs_hint = false} : vector<512x5888xbf16>, vector<5888x2048xbf16>, vector<512x2048xf32> -> vector<512x2048xf32>
    %swap3A = arith.constant 0 : index
    %swap3A_14 = arith.constant 0 : index
    %swap3A_15 = vector.load %arg4[%swap3A, %swap3A_14] : memref<512x2048xf32, #tpu.memory_space<vmem>>, vector<512x2048xf32>
    tpu.vector_store %arg4[%swap3A, %swap3A_14], %dot_general3A_13 {strides = array<i32>} : memref<512x2048xf32, #tpu.memory_space<vmem>>, vector<512x2048xf32>,
    return
  }
  func.func @transform_0(%arg0: i32) -> (i32, i32) {
    %c0_i32 = arith.constant 0 : i32
    %c0_i32_0 = arith.constant 0 : i32
    %c0_i32_1 = arith.constant 0 : i32
    return %c0_i32, %c0_i32_0 : i32, i32
  }
  func.func @transform_1(%arg0: i32) -> (i32, i32) {
    %c0_i32 = arith.constant 0 : i32
    %c0_i32_0 = arith.constant 0 : i32
    return %arg0, %c0_i32 : i32, i32
  }
  func.func @transform_2(%arg0: i32) -> (i32, i32) {
    %c0_i32 = arith.constant 0 : i32
    %c0_i32_0 = arith.constant 0 : i32
    return %arg0, %c0_i32 : i32, i32
  }
  func.func @transform_3(%arg0: i32) -> (i32, i32) {
    %c0_i32 = arith.constant 0 : i32
    %c0_i32_0 = arith.constant 0 : i32
    return %arg0, %c0_i32 : i32, i32
  }
}

</mosaic_0001>

<sc_bundles>
// kernel: kernel.6.cloned.1.call-start
scs
__scs_entry_jumppad:
0x0: {  	(pc) =	sbr.rel $0x88, $3  }
0x1: {  	(tag) =	ssettag $0x0;
	lr =	simm.s32 $0x1  }
0x2: {  	[smem:$0x3F9B] =	sst lr;
	_ =	strace $0xD0000000  }
0x3: {  	_ = 	snop  }
0x4: {  	_ = 	snop  }
0x5: {  	_ = 	snop  }
0x6: {  	_ = 	snop  }
0x7: {  	_ = 	snop  }
__scs_overlays_trampoline_lowered:
0x8: {  	[smem:$0x3FAA] =	sst s0  }
0x9: {  	[smem:$0x3FAB] =	sst s1  }
0xa: {  	[smem:$0x3FAC] =	sst s2  }
0xb: {  	[smem:$0x3FAD] =	sst s3  }
0xc: {  	[smem:$0x3FAE] =	sst s4  }
0xd: {  	[smem:$0x3FAF] =	sst s5  }
0xe: {  	[smem:$0x3FB0] =	sst s6  }
0xf: {  	[smem:$0x3FB1] =	sst s7  }
0x10: {  	[smem:$0x3FB2] =	sst s8  }
0x11: {  	[smem:$0x3FB3] =	sst s9;
	s0 =	simm.s32 @!p0 $0x0  }
0x12: {  	s1 =	sld [smem:$0x3F99];
	s0 =	simm.s32 @p0 $0x1  }
0x13: {  	[smem:$0x3FB4] =	sst s0;
	s0 =	simm.s32 @!p1 $0x0  }
0x14: {  	s2 =	sld [smem:$0x3F98];
	s0 =	simm.s32 @p1 $0x1  }
0x15: {  	[smem:$0x3FB5] =	sst s0;
	s0 =	simm.s32 @!p2 $0x0  }
0x16: {  	s3 =	sld [smem:$0x3FDB];
	s0 =	simm.s32 @p2 $0x1  }
0x17: {  	s4 =	simm.s32 $0x1BF5;
	[smem:$0x3FB7] =	sst s0  }
0x18: {  	s0 =	sld [smem:$0x3F9A];
	_ =	swait.ge [sflag:s4], $0x0  }
0x19: {  	s7 =	sld [smem:$0x3F9B]  }
0x1a: {  	s8 =	sadd.s32 $0xFFFFE003, lr  }
0x1b: {  	s9 =	sadd.s32 $0xFFFFFEF7, lr;
	s5 =	simm.s32 $0xFFFFFFFF;
	p2 =	slt.u32 s8, $0xFFFFF086  }
0x1c: {  	p1 =	slt.u32 s9, $0xF7A;
	s5 =	simm.s32 @!p2 $0x0  }
0x1d: {  	s5 =	simm.s32 @p1 $0x1;
	p0 =	seq.s32 s7, s2  }
0x1e: {  	s7 =	smul.u32 @!p0 $0xF7A, s2;
	p2 =	seq.s32 @!p0 s5, $0x0  }
0x1f: {  	s9 =	smul.u32 $0xF7A, s1;
	s8 =	simm.s32 @!p0 $0x1BF5;
	p2 =	por !p2, p0  }
0x20: {  	[sflag:s8] =	ssyncset.s32 @!p0 $0xFFFFF086;
	s6 =	sadd.s32 @!p0 s3, s7;
	s7 =	simm.s32 @!p0 $0x108  }
0x21: {  	s3 =	sadd.s32 s3, s9;
	s6 =	sadd.s32 @!p0 $0x88, s6;
	s7 =	simm.s32 @p2 $0x1082  }
0x22: {  	[simem:s7], [sflag:s8] =	dma.local @!p0 [hbm:s6], $0xF7A  }
0x23: {  	s9 =	sor.u32 $0xD0000000, s2;
	s6 =	simm.s32 $0x108;
	_ =	swait.ge @!p0 [sflag:s8], $0x0  }
0x24: {  	s3 =	sadd.s32 $0x88, s3;
	s6 =	simm.s32 @!p1 $0x1082;
	[sflag:s4] =	ssyncset.s32 $0xFFFFF086  }
0x25: {  	[simem:s6], [sflag:s4] =	dma.local [hbm:s3], $0xF7A  }
0x26: {  	[smem:$0x3F9B] =	sst s1;
	(tag) =	ssettag s2;
	_ =	strace s9  }
0x27: {  	s1 =	sld [smem:$0x3FAB]  }
0x28: {  	s2 =	sld [smem:$0x3FAC]  }
0x29: {  	s4 =	sld [smem:$0x3FAE]  }
0x2a: {  	p0 =	seq.s32 s5, $0x0;
	s5 =	sld [smem:$0x3FAF]  }
0x2b: {  	s6 =	sld [smem:$0x3FB0]  }
0x2c: {  	s7 =	sld [smem:$0x3FB1]  }
0x2d: {  	s3 =	simm.s32 $0x108;
	s8 =	sld [smem:$0x3FB2]  }
0x2e: {  	s3 =	simm.s32 @!p0 $0x1082;
	s9 =	sld [smem:$0x3FB3]  }
0x2f: {  	lr =	sadd.s32 s0, s3;
	s0 =	sld [smem:$0x3FAA]  }
0x30: {  	s3 =	sld [smem:$0x3FAD]  }
0x31: {  	[smem:$0x3FB6] =	sst s10  }
0x32: {  	s10 =	sld [smem:$0x3FB4];
	_ =	sdelay $0x3  }
0x33: {  	p0 =	seq.s32 s10, $0x1;
	s10 =	sld [smem:$0x3FB6];
	_ =	sdelay $0x3  }
0x34: {  	[smem:$0x3FB6] =	sst s10  }
0x35: {  	s10 =	sld [smem:$0x3FB5];
	_ =	sdelay $0x3  }
0x36: {  	p1 =	seq.s32 s10, $0x1;
	s10 =	sld [smem:$0x3FB6];
	_ =	sdelay $0x3  }
0x37: {  	[smem:$0x3FB6] =	sst s10  }
0x38: {  	s10 =	sld [smem:$0x3FB7]  }
0x39: {  	_ = 	snop;
	(pc) =	sbr.ind lr, $3  }
0x3a: {  	_ = 	snop  }
0x3b: {  	_ = 	snop  }
0x3c: {  	p2 =	seq.s32 s10, $0x1;
	s10 =	sld [smem:$0x3FB6]  }
0x3d: {  	_ =	shalt  }
0x3e: {  	_ =	shalt  }
0x3f: {  	_ =	shalt  }
0x40: {  	_ =	shalt  }
0x41: {  	_ =	shalt  }
0x42: {  	_ =	shalt  }
0x43: {  	_ =	shalt  }
0x44: {  	_ =	shalt  }
0x45: {  	_ =	shalt  }
0x46: {  	_ =	shalt  }
0x47: {  	_ =	shalt  }
0x48: {  	_ =	shalt  }
0x49: {  	_ =	shalt  }
0x4a: {  	_ =	shalt  }
0x4b: {  	_ =	shalt  }
0x4c: {  	_ =	shalt  }
0x4d: {  	_ =	shalt  }
0x4e: {  	_ =	shalt  }
0x4f: {  	_ =	shalt  }
0x50: {  	_ =	shalt  }
0x51: {  	_ =	shalt  }
0x52: {  	_ =	shalt  }
0x53: {  	_ =	shalt  }
0x54: {  	_ =	shalt  }
0x55: {  	_ =	shalt  }
0x56: {  	_ =	shalt  }
0x57: {  	_ =	shalt  }
0x58: {  	_ =	shalt  }
0x59: {  	_ =	shalt  }
0x5a: {  	_ =	shalt  }
0x5b: {  	_ =	shalt  }
0x5c: {  	_ =	shalt  }
0x5d: {  	_ =	shalt  }
0x5e: {  	_ =	shalt  }
0x5f: {  	_ =	shalt  }
0x60: {  	_ =	shalt  }
0x61: {  	_ =	shalt  }
0x62: {  	_ =	shalt  }
0x63: {  	_ =	shalt  }
0x64: {  	_ =	shalt  }
0x65: {  	_ =	shalt  }
0x66: {  	_ =	shalt  }
0x67: {  	_ =	shalt  }
0x68: {  	_ =	shalt  }
0x69: {  	_ =	shalt  }
0x6a: {  	_ =	shalt  }
0x6b: {  	_ =	shalt  }
0x6c: {  	_ =	shalt  }
0x6d: {  	_ =	shalt  }
0x6e: {  	_ =	shalt  }
0x6f: {  	_ =	shalt  }
0x70: {  	_ =	shalt  }
0x71: {  	_ =	shalt  }
0x72: {  	_ =	shalt  }
0x73: {  	_ =	shalt  }
0x74: {  	_ =	shalt  }
0x75: {  	_ =	shalt  }
0x76: {  	_ =	shalt  }
0x77: {  	_ =	shalt  }
0x78: {  	_ =	shalt  }
0x79: {  	_ =	shalt  }
0x7a: {  	_ =	shalt  }
0x7b: {  	_ =	shalt  }
0x7c: {  	_ =	shalt  }
0x7d: {  	_ =	shalt  }
0x7e: {  	_ =	shalt  }
0x7f: {  	_ =	shalt  }
0x80: {  	_ =	shalt  }
0x81: {  	_ =	shalt  }
0x82: {  	_ =	shalt  }
0x83: {  	_ =	shalt  }
0x84: {  	_ =	shalt  }
0x85: {  	_ =	shalt  }
0x86: {  	_ =	shalt  }
0x87: {  	_ =	shalt  }
.Lfunc_end0:
.L_simem_size_0:
called_computation_lowered:
.L_overlay_start_0:
0x88: {  	s2 =	sld [smem:$0x3FD9]  }
0x89: {  	s3 =	sld [smem:$0x3FFE];
	_ =	sdelay $0x1  }
0x8a: {  	s1 =	srdreg.scid  }
0x8b: {  	s0 =	sand.u32 $0x1, s1  }
0x8c: {  	s16 =	sshll.u32 s0, $0xA;
	s2 =	sadd.s32 s3, s2  }
0x8d: {  	s2 =	sadd.s32 s2, s16  }
0x8e: {  	[smem:$0x3FC2] =	sst s2  }
0x8f: {  	_ = 	snop  }
0x90: {  	(tm) =	ssettm $0x1  }
0x91: {  	s17 =	sld [smem:$0x3FFB];
	_ =	sdelay $0x3  }
0x92: {  	_ =	strace s17  }
0x93: {  	s2 =	sld [smem:$0x3FFC];
	_ =	sdelay $0x3  }
0x94: {  	_ =	strace s2  }
0x95: {  	s2 =	sld [smem:$0x3FFD];
	_ =	sdelay $0x3  }
0x96: {  	_ =	strace s2  }
0x97: {  	_ =	strace $0x8FFFFFFF  }
0x98: {  	s18 =	sld [smem:$0x3FDB];
	_ =	sdelay $0x1  }
0x99: {  	s19 =	simm.s32 $_scs_section_size  }
0x9a: {  	s4 =	simm.s32 $_size__tile_overlayer_lowered;
	s5 =	simm.s32 $_tile_overlayer_lowered  }
0x9b: {  	s22 =	simm.s32 $0x1BFF;
	s21 =	sshll.u32 s5, $0x1;
	s2 =	sadd.s32 s19, s18  }
0x9c: {  	s6 =	simm.s32 $0x0;
	s20 =	sshll.u32 s4, $0x1;
	s4 =	sadd.s32 s21, s2  }
0x9d: {  	[timem:s6], [sflag:s22] =	dma.local [hbm:s4], s20  }
0x9e: {  	_ =	swait.ge [sflag:s22], s20  }
0x9f: {  	s3 =	ssub.s32 $0x0, s20;
	[sflag:s22] =	ssyncset.done $0x0  }
0xa0: {  	[sflag:s22] =	ssyncadd.s32 s3;
	_ =	sdelay $0x1  }
0xa1: {  	s23 =	simm.s32 $0x1B8B  }
0xa2: {  	_ =	swait.ge [sflag:s23], $0x1  }
0xa3: {  	[sflag:s23] =	ssyncset.done $0x0  }
0xa4: {  	s25 =	simm.s32 $0x1B8E;
	s24 =	sld [smem:$0x3FFE];
	[sflag:s23] =	ssyncadd.s32 $0xFFFFFFFF  }
0xa5: {  	s26 =	simm.s32 $execute0_lowered;
	[smem:$0x3FD2] =	sst s25  }
0xa6: {  	s4 =	sshll.u32 s26, $0x1;
	_ =	strace $0x80000046;
	[dreg:$0x1] =	wrdreg $0xFFFFFFFF  }
0xa7: {  	s28 =	simm.s32 $_size_execute0_lowered;
	s2 =	sadd.s32 s2, s4;
	[dreg:$0x0] =	wrdreg $0x0  }
0xa8: {  	s4 =	sshll.u32 s28, $0x1;
	[dreg:$0x2] =	wrdreg s2  }
0xa9: {  	[dreg:$0x3] =	wrdreg s4  }
0xaa: {  	[dreg:$0x4] =	wrdreg $0xC0  }
0xab: {  	_ =	task [dreg:s6], $0x5FFFF  }
0xac: {  	[dreg:$0x1] =	wrdreg $0xFFFFFFFF  }
0xad: {  	[dreg:$0x0] =	wrdreg $0x60  }
0xae: {  	[dreg:$0x2] =	wrdreg s24  }
0xaf: {  	[dreg:$0x3] =	wrdreg $0x9  }
0xb0: {  	_ =	task.clear_ibuf [dreg:s6], $0x4FFFF;
	_ =	strace $0x90000046  }
0xb1: {  	s29 =	simm.s32 $0x9;
	_ =	strace $0x80000048  }
0xb2: {  	_ =	swait.ge [sflag:s29], $0x1  }
0xb3: {  	[sflag:s29] =	ssyncadd.s32 $0xFFFFFFFF  }
0xb4: {  	_ =	strace $0x90000048  }
0xb5: {  	_ =	sfence  }
0xb6: {  	s30 =	sld [smem:$0x0];
	_ =	sdelay $0x2  }
0xb7: {  	s31 =	sshll.u32 s1, $0xD;
	s1 =	sshrl.u32 s1, $0x2  }
0xb8: {  	s3 =	sand.u32 $0x4000, s31;
	s1 =	sadd.s32 s1, s30  }
0xb9: {  	s0 =	sor.u32 s3, s0;
	s1 =	sshll.u32 s1, $0x11  }
0xba: {  	s0 =	sor.u32 s1, s0  }
0xbb: {  	s0 =	sadd.s32 $0x8F2B, s0  }
0xbc: {  	[sflag:s0] =	ssyncadd.remote.s32 $0x1  }
0xbd: {  	_ =	sfence.sel $0xFFFF  }
0xbe: {  	[dreg:$0x0] =	wrdreg $0xFFFFFFFF;
	(pc) =	sbr.abs _section_cstart, $3  }
0xbf: {  	[dreg:$0x1] =	wrdreg $0xFFFFFFFF  }
0xc0: {  	_ =	task.clear_ibuf [dreg:s6], $0x2FFFF;
	_ =	strace $0x9FFFFFFF  }
0xc1: {  	(tm) =	ssettm $0x7FFFFFFF  }
tec
execute0_lowered:
.L_overlay_start_1:
0x0: {  	(tag) =	ssettag $0x1  }
0x1: {  	s0 =	srdreg.scid  }
0x2: {  	s4 =	sand.u32 $0x1, s0;
	s0 =	stileid.u32  }
0x3: {  	s2 =	sshll.u32 s0, $0x1;
	s3 =	ssub.s32 $0x0, s4  }
0x4: {  	p0 =	sne.s32 s2, s3  }
.Ltmp0:
0x5: {  	_ = 	snop;
	(pc) =	sbr.rel @p0 .LBB2_9-.Ltmp0, $3  }
0x6: {  	_ =	sdelay $0x1  }
0x7: {  	s9 =	rddreg [dreg:$0x0]  }
0x8: {  	s1 =	rddreg [dreg:$0x1];
	_ =	strace $0x80000047  }
0x9: {  	v0 =	vimm.s32 $0x0  }
0xa: {  	(xrf1) =	vunique.msk.u32 $0xffff, v0  }
0xb: {  	vm0 =	vcmask $0xB08;
	vm1 =	vcmask $0x300  }
0xc: {  	vm0 =	vmor vm1, vm0;
	vm1 =	vcmask $0x1310  }
0xd: {  	vm0 =	vmor vm0, vm1;
	vm1 =	vcmask $0x1B18  }
0xe: {  	vm0 =	vmor vm0, vm1;
	vm1 =	vcmask $0x2320  }
0xf: {  	vm0 =	vmor vm0, vm1;
	vm1 =	vcmask $0x2B28  }
0x10: {  	vm0 =	vmor vm0, vm1;
	vm1 =	vcmask $0x3330  }
0x11: {  	s2 =	sadd.s32 $0x1000, s9;
	s3 =	sadd.s32 $0xE00, s9;
	s8 =	ssub.s32 $0x2, s4;
	vm2 =	vcmask $0x704;
	vm0 =	vmor vm0, vm1;
	vm1 =	vcmask $0xF0C  }
0x12: {  	s4 =	sadd.s32 $0x1600, s9;
	s5 =	sadd.s32 $0x1A00, s9;
	vm3 =	vcmask $0x3B38;
	s6 =	sadd.s32 $0x1200, s9;
	vm1 =	vmor vm2, vm1;
	vm2 =	vcmask $0x1714  }
0x13: {  	s7 =	sadd.s32 $0x1400, s9;
	v1 =	vlaneseq.u32;
	s11 =	simm.s32 $0x0;
	s12 =	simm.s32 $0x1;
	vm1 =	vmor vm1, vm2;
	vm2 =	vcmask $0x1F1C  }
0x14: {  	s13 =	simm.s32 $0x1000;
	s14 =	simm.s32 $0x6E00;
	s15 =	simm.s32 $0x6F80;
	v2 =	vmul.u32 $0x100, v1;
	vm1 =	vmor vm1, vm2;
	vm2 =	vcmask $0x2724  }
0x15: {  	v3 =	vimm.f32 $0.0e+00;
	s16 =	simm.s32 $0x7000;
	s17 =	simm.s32 $0x6E80;
	s18 =	simm.s32 $0x3000;
	vm1 =	vmor vm1, vm2;
	vm2 =	vcmask $0x2F2C  }
0x16: {  	s19 =	simm.s32 $0x4700;
	s20 =	simm.s32 $0x5E00;
	s10 =	sshrl.u32 s8, $0x1;
	v4 =	vor.u32 $0x1, v2;
	vm1 =	vmor vm1, vm2;
	vm2 =	vcmask $0x3734  }
0x17: {  	s21 =	simm.s32 $0x6600;
	s22 =	simm.s32 $0x0;
	s10 =	ssub.s32 s8, s10;
	v6 =	vor.u32 $0x1001, v2;
	vm1 =	vmor vm1, vm2;
	vm2 =	vcmask $0x3F3C  }
0x18: {  	s8 =	sadd.s32 $0x1E00, s9;
	s9 =	sadd.s32 $0x2000, s9;
	s10 =	smax.u32 s10, $0x1;
	v7 =	vor.u32 $0x1000, v2;
	vm0 =	vmor vm0, vm3;
	vm1 =	vmor vm1, vm2;
	_, v5, _ =	vpop (xrf1)  }
.LBB2_2:
0x19: {  	[tilespmem:s11], [sflag:$0x1] =	stream.linear.gather [hbm4b:s2+s11], $0x1000, $0x38;
	[tilespmem:$0x7080] =	vst v63  }
0x1a: {  	_ =	swait.ge [sflag:s12], $0x1000  }
0x1b: {  	[sflag:s12] =	ssyncset.done $0x0  }
0x1c: {  	[sflag:s12] =	ssyncadd.s32 $0xFFFFF000  }
0x1d: {  	[tilespmem:s13], [sflag:$0x1] =	stream.linear.gather [hbm4b:s3+s11], $0x1000, $0x38;
	[tilespmem:$0x7080] =	vst v63  }
0x1e: {  	_ =	swait.ge [sflag:s12], $0x1000  }
0x1f: {  	[sflag:s12] =	ssyncset.done $0x0  }
0x20: {  	[sflag:s12] =	ssyncadd.s32 $0xFFFFF000  }
0x21: {  	s23 =	simm.s32 $0x0;
	[tilespmem:$0x6E00] =	vst v0  }
.LBB2_3:
0x22: {  	p0 =	sne.s32 s23, $0x5BC0  }
.Ltmp1:
0x23: {  	_ = 	snop;
	(pc) =	sbr.rel @p0 .LBB2_3-.Ltmp1, $4  }
0x24: {  	_ = 	snop  }
0x25: {  	s24 =	sshra.s32 s23, $0x2  }
0x26: {  	[tilespmem:s24+$0x3000] =	vst v0  }
0x27: {  	s23 =	sadd.s32 $0x40, s23;
	[tilespmem:s24+$0x4700] =	vst v3  }
0x28: {  	s23 =	simm.s32 $0x0;
	s24 =	simm.s32 $0x40  }
.LBB2_5:
0x29: {  	p0 =	sne.s32 s24, $0x3FC0;
	v8 =	vld [tilespmem:s23+$0x0];
	_ =	sdelay $0x4  }
0x2a: {  	(xrf1) =	vunique.msk.u32 $0xffff, v8;
	_ =	sdelay $0x9  }
0x2b: {  	v9 =	vld.idx.msk [tilespmem:v8+s14+$0x0], $0xffff;
	_ =	sdelay $0x3  }
0x2c: {  	_, v10, vm2 =	vpop (xrf1);
	_ =	sdelay $0x1  }
.Ltmp2:
0x2d: {  	v9 =	vsub.s32 v9, v5;
	(pc) =	sbr.rel @p0 .LBB2_5-.Ltmp2, $4  }
0x2e: {  	v9 =	vadd.s32 v10, v9  }
0x2f: {  	v9 =	vadd.s32 v1, v9  }
0x30: {  	[tilespmem:s23+$0x2000] =	vst v9;
	v9 =	vadd.s32 $0x1, v9  }
0x31: {  	s23 =	sshra.s32 s24, $0x2;
	s24 =	sadd.s32 $0x40, s24;
	[tilespmem:v8+s14+$0x0] =	vst.idx.msk vm2, v9  }
0x32: {  	v8 =	vld [tilespmem:s23+$0x0];
	_ =	sdelay $0x4  }
0x33: {  	(xrf1) =	vunique.msk.u32 $0xffff, v8;
	_ =	sdelay $0xa  }
0x34: {  	v9 =	vld.idx.msk [tilespmem:v8+s14+$0x0], $0xffff;
	_ =	sdelay $0x2  }
0x35: {  	_, v10, vm2 =	vpop (xrf1);
	_ =	sdelay $0x1  }
0x36: {  	v9 =	vsub.s32 v9, v5  }
0x37: {  	v9 =	vadd.s32 v10, v9  }
0x38: {  	v9 =	vadd.s32 v1, v9  }
0x39: {  	[tilespmem:s23+$0x2000] =	vst v9;
	v9 =	vadd.s32 $0x1, v9  }
0x3a: {  	[tilespmem:v8+s14+$0x0] =	vst.idx.msk vm2, v9  }
0x3b: {  	v8 =	vld [tilespmem:$0x6E00];
	_ =	sdelay $0x4  }
0x3c: {  	v8 =	vadd.s32 $0xFF, v8  }
0x3d: {  	v8 =	vand.u32 $0xFFFFFF00, v8  }
0x3e: {  	(xrf0) =	vadd.scan.msk.s32 $0xffff, v8;
	_ =	sdelay $0x5  }
0x3f: {  	v44, _, _ =	vpop (xrf0)  }
0x40: {  	v45 =	vbroadcast v44, $0x0;
	v11 =	vbroadcast v44, $0x1  }
0x41: {  	v46 =	vbroadcast v44, $0x2;
	v15 =	vbroadcast v44, $0x3  }
0x42: {  	v49 =	vbroadcast v44, $0x4;
	v52 =	vbroadcast v44, $0x5  }
0x43: {  	v55 =	vbroadcast v44, $0x6;
	v57 =	vbroadcast v44, $0x7;
	vm2 =	vlt.s32 v45, v4  }
0x44: {  	v8 =	vsub.s32 v44, v8;
	v12 =	vsel vm2, $0x1, v0;
	vm2 =	vlt.s32 v45, v6  }
0x45: {  	vm3 =	vlt.s32 v11, v6;
	v13 =	vsel vm2, $0x1, v0;
	vm2 =	vlt.s32 v11, v4  }
0x46: {  	v14 =	vsel vm3, $0x1, v0;
	v47 =	vsel vm2, $0x1, v0;
	vm2 =	vlt.s32 v46, v4  }
0x47: {  	v13 =	vadd.s32 v14, v13;
	v48 =	vsel vm2, $0x1, v0;
	vm2 =	vlt.s32 v46, v6  }
0x48: {  	v11 =	vadd.s32 v47, v12;
	v10 =	vsel vm2, $0x1, v0;
	vm2 =	vlt.s32 v15, v4  }
0x49: {  	v11 =	vadd.s32 v48, v11;
	v50 =	vsel vm2, $0x1, v0;
	vm2 =	vlt.s32 v15, v6  }
0x4a: {  	v10 =	vadd.s32 v10, v13;
	v51 =	vsel vm2, $0x1, v0;
	vm2 =	vlt.s32 v49, v4  }
0x4b: {  	v11 =	vadd.s32 v50, v11;
	v53 =	vsel vm2, $0x1, v0;
	vm2 =	vlt.s32 v49, v6  }
0x4c: {  	v10 =	vadd.s32 v51, v10;
	v12 =	vsel vm2, $0x1, v0;
	vm2 =	vlt.s32 v52, v4  }
0x4d: {  	v11 =	vadd.s32 v53, v11;
	v54 =	vsel vm2, $0x1, v0;
	vm2 =	vlt.s32 v52, v6  }
0x4e: {  	v10 =	vadd.s32 v12, v10;
	v56 =	vsel vm2, $0x1, v0;
	vm2 =	vlt.s32 v55, v4  }
0x4f: {  	v11 =	vadd.s32 v54, v11;
	v58 =	vsel vm2, $0x1, v0;
	vm2 =	vlt.s32 v55, v6  }
0x50: {  	v10 =	vadd.s32 v56, v10;
	v59 =	vsel vm2, $0x1, v0;
	vm2 =	vlt.s32 v57, v4  }
0x51: {  	v11 =	vadd.s32 v58, v11;
	v60 =	vsel vm2, $0x1, v0;
	vm2 =	vlt.s32 v57, v6  }
0x52: {  	[tilespmem:$0x6E80] =	vst v8;
	v8 =	vadd.s32 v59, v10;
	v61 =	vadd.s32 v60, v11;
	v62 =	vsel vm2, $0x1, v0  }
0x53: {  	[tilespmem:$0x6F00] =	vst v44;
	v8 =	vadd.s32 v62, v8;
	v63 =	vmin.u32 v61, $0x7  }
0x54: {  	vm2 =	vgt.s32 v57, v2;
	[tilespmem:$0x6F80] =	vst v63;
	v8 =	vmin.u32 v8, $0x7  }
0x55: {  	[tilespmem:$0x6F90] =	vst v8;
	v8 =	vsel vm2, $0x1, v0;
	vm2 =	vgt.s32 v57, v7  }
0x56: {  	[tilespmem:$0x7000] =	vst v8;
	v8 =	vsel vm2, $0x1, v0  }
0x57: {  	s23 =	simm.s32 $0x0;
	[tilespmem:$0x7010] =	vst v8  }
0x58: {  	[hbm4b:s8+s23] =	stream.linear.scatter [tilespmem:s15], [sflag:$0x1], $0x80, $0x38;
	[tilespmem:$0x7080] =	vst v63  }
0x59: {  	_ =	swait.ge [sflag:s12], $0x80  }
0x5a: {  	[sflag:s12] =	ssyncset.done $0x0  }
0x5b: {  	[sflag:s12] =	ssyncadd.s32 $0xFFFFFF80  }
0x5c: {  	[hbm4b:s9+s23] =	stream.linear.scatter [tilespmem:s16], [sflag:$0x1], $0x80, $0x38;
	[tilespmem:$0x7080] =	vst v63  }
0x5d: {  	_ =	swait.ge [sflag:s12], $0x80  }
0x5e: {  	s24 =	simm.s32 $0x1000;
	[sflag:s12] =	ssyncset.done $0x0  }
0x5f: {  	s25 =	simm.s32 $0x2000;
	s26 =	simm.s32 $0x0;
	[sflag:s12] =	ssyncadd.s32 $0xFFFFFF80  }
.LBB2_7:
0x60: {  	v8 =	vld [tilespmem:s23+$0x0];
	_ =	sdelay $0x6  }
0x61: {  	v9 =	vld [tilespmem:s25+$0x0]  }
0x62: {  	v8 =	vld.idx.msk [tilespmem:v8+s17+$0x0], $0xffff;
	_ =	sdelay $0x4  }
0x63: {  	v8 =	vadd.s32 v9, v8  }
0x64: {  	v63 =	vld [tilespmem:s24+$0x0];
	v10 =	vor.u32 s26, v1  }
0x65: {  	v10 =	vshrl.u32 v10, $0x1  }
0x66: {  	p0 =	sne.s32 s26, $0xFF0  }
.Ltmp3:
0x67: {  	_ = 	snop;
	(pc) =	sbr.rel @p0 .LBB2_7-.Ltmp3, $4  }
0x68: {  	[tilespmem:v8+s18+$0x0] =	vst.idx.msk $0xffff, v10  }
0x69: {  	[tilespmem:v8+s19+$0x0] =	vst.idx.msk $0xffff, v63  }
0x6a: {  	s23 =	sadd.s32 $0x10, s23;
	[tilespmem:v10+s20+$0x0] =	vst.idx.msk vm0, v8  }
0x6b: {  	s24 =	sadd.s32 $0x10, s24;
	s25 =	sadd.s32 $0x10, s25;
	s26 =	sadd.s32 $0x10, s26;
	[tilespmem:v10+s21+$0x0] =	vst.idx.msk vm1, v8  }
0x6c: {  	[hbm4b:s4+s11] =	stream.linear.scatter [tilespmem:s18], [sflag:$0x1], $0x1700, $0x38;
	[tilespmem:$0x7080] =	vst v63  }
0x6d: {  	_ =	swait.ge [sflag:s12], $0x1700  }
0x6e: {  	[sflag:s12] =	ssyncset.done $0x0  }
0x6f: {  	[sflag:s12] =	ssyncadd.s32 $0xFFFFE900  }
0x70: {  	[hbm4b:s5+s11] =	stream.linear.scatter [tilespmem:s19], [sflag:$0x1], $0x1700, $0x38;
	[tilespmem:$0x7080] =	vst v63  }
0x71: {  	_ =	swait.ge [sflag:s12], $0x1700  }
0x72: {  	[sflag:s12] =	ssyncset.done $0x0  }
0x73: {  	[sflag:s12] =	ssyncadd.s32 $0xFFFFE900  }
0x74: {  	[hbm4b:s6+s11] =	stream.linear.scatter [tilespmem:s20], [sflag:$0x1], $0x800, $0x38;
	[tilespmem:$0x7080] =	vst v63  }
0x75: {  	s22 =	sadd.s32 $0x1, s22;
	_ =	swait.ge [sflag:s12], $0x800  }
0x76: {  	p0 =	sne.s32 s22, s10;
	[sflag:s12] =	ssyncset.done $0x0  }
.Ltmp4:
0x77: {  	[sflag:s12] =	ssyncadd.s32 $0xFFFFF800;
	(pc) =	sbr.rel @p0 .LBB2_2-.Ltmp4, $4  }
0x78: {  	[hbm4b:s7+s11] =	stream.linear.scatter [tilespmem:s21], [sflag:$0x1], $0x800, $0x38;
	[tilespmem:$0x7080] =	vst v63  }
0x79: {  	_ =	swait.ge [sflag:s12], $0x800  }
0x7a: {  	[sflag:s12] =	ssyncset.done $0x0  }
0x7b: {  	[sflag:s12] =	ssyncadd.s32 $0xFFFFF800  }
.LBB2_9:
0x7c: {  	_ =	sfence.sel $0x180000  }
0x7d: {  	[bflag:$0x0] =	sbarrier.arrive $0xFFFF  }
0x7e: {  	p0 =	sne.s32 s0, $0x0;
	_ =	strace $0x90000047  }
0x7f: {  	s0 =	sadd.s32 @!p0 $0x100000, s1;
	[bflag:$0x2] =	sbarrier.arrive $0xFFFF  }
0x80: {  	[sflag:s0] =	ssyncadd.tile.s32 @!p0 $0x1;
	_ =	shalt  }
.Lfunc_end2:
_tile_overlayer_lowered:
.L_overlay_start_2:
0x81: {  	(tag) =	ssettag $0x2  }
0x82: {  	s0 =	rddreg [dreg:$0x0];
	s2 =	stileid.u32  }
0x83: {  	s1 =	rddreg [dreg:$0x1];
	p0 =	sne.s32 s2, $0x0  }
0x84: {  	s3 =	rddreg [dreg:$0x2];
	[bflag:$0x3] =	sbarrier.arrive $0xFFFF;
	s2 =	simm.s32 @!p0 $0x1C01  }
0x85: {  	[timem:s3], [sflag:s2] =	dma.local @!p0 [hbm:s0], s1  }
0x86: {  	s0 =	simm.s32 @!p0 $0x1  }
0x87: {  	_ =	swait.ge @!p0 [sflag:s0], s1  }
0x88: {  	s1 =	ssub.s32 @!p0 $0x0, s1;
	[sflag:s0] =	ssyncset.done @!p0 $0x0  }
0x89: {  	[sflag:s0] =	ssyncadd.s32 @!p0 s1  }
0x8a: {  	[bflag:$0x3] =	sbarrier.arrive $0xFFFF  }
0x8b: {  	_ =	shalt  }

</sc_bundles>
